<compile_context>
chip_gen: v7x
topology: tpu7x:2x2x1
jax: 0.10.2.dev20260603
libtpu: 0.0.44.dev20260713+nightly
codegen_flags: <defaults>
</compile_context>

<pallas_src>
import functools

import jax
import jax.numpy as jnp
from jax import lax
from jax.experimental import pallas as pl
from jax.experimental.pallas import tpu as pltpu
from jax.experimental.pallas import tpu_sc as plsc

_N = 10000
_E = 320000
_D = 128
_H = 128
_G = 128

_NC = 2
_NS = 16
_NW = _NC * _NS
_EPW = _E // _NW
_CHUNK = 80
_NCHUNK = _EPW // _CHUNK
_WB_BASE = 624
_WB_ROWS = 640


_NBUF = 3
_NITER = _NCHUNK // _NBUF
_NREM = _NCHUNK - _NITER * _NBUF


def _sc_agg_body(z_hbm, src_hbm, dst_hbm, zero_hbm, out_hbm,
                 src_idx, dst_ring, rows_v, agg_sh, gsems, ssems):

    def fire(k, b):
        pltpu.async_copy(z_hbm.at[src_idx.at[pl.ds(k * _CHUNK, _CHUNK)]],
                         rows_v.at[b], gsems.at[b])
        pltpu.async_copy(dst_hbm.at[wid, k], dst_ring.at[b], gsems.at[b])

    def drain_gather(b):
        pltpu.make_async_copy(z_hbm.at[src_idx.at[pl.ds(0, _CHUNK)]],
                              rows_v.at[b], gsems.at[b]).wait()
        pltpu.make_async_copy(dst_hbm.at[wid, 0], dst_ring.at[b],
                              gsems.at[b]).wait()

    def fire_scatter(b):
        pltpu.async_copy(rows_v.at[b], agg_sh.at[dst_ring.at[b]], ssems.at[b],
                         add=True)

    def drain_scatter(b):
        pltpu.make_async_copy(rows_v.at[b], agg_sh.at[dst_ring.at[b]],
                              ssems.at[b]).wait()

    c = lax.axis_index("c")
    s = lax.axis_index("s")
    wid = c * _NS + s

    pltpu.sync_copy(src_hbm.at[wid], src_idx)

    pltpu.sync_copy(zero_hbm, agg_sh.at[pl.ds(s * _WB_BASE, _WB_ROWS)])

    for b in range(_NBUF):
        fire(b, b)

    plsc.subcore_barrier()

    def body(t, carry):
        base = t * _NBUF
        for b in range(_NBUF):
            k = base + b
            drain_gather(b)
            fire_scatter(b)
            drain_scatter(b)
            nxt = k + _NBUF

            @pl.when(nxt < _NCHUNK)
            def _():
                fire(nxt, b)
        return carry

    lax.fori_loop(0, _NITER, body, 0)

    for b in range(_NREM):
        drain_gather(b)
        fire_scatter(b)
        drain_scatter(b)

    plsc.subcore_barrier()

    pltpu.sync_copy(agg_sh.at[pl.ds(s * _WB_BASE, _WB_ROWS)],
                    out_hbm.at[c, pl.ds(s * _WB_BASE, _WB_ROWS)])


@jax.jit
def _sc_agg(z, src_r, dst_r, zeros_tile):
    mesh = plsc.VectorSubcoreMesh(core_axis_name="c", subcore_axis_name="s")
    k = pl.kernel(
        _sc_agg_body,
        out_type=jax.ShapeDtypeStruct((_NC, _N, _D), jnp.float32),
        mesh=mesh,
        scratch_types=[
            pltpu.VMEM((_EPW,), jnp.int32),
            pltpu.VMEM((_NBUF, _CHUNK), jnp.int32),
            pltpu.VMEM((_NBUF, _CHUNK, _D), jnp.float32),
            pltpu.VMEM_SHARED((_N, _D), jnp.float32),
            pltpu.SemaphoreType.DMA((_NBUF,)),
            pltpu.SemaphoreType.DMA((_NBUF,)),
        ],
    )
    return k(z, src_r, dst_r, zeros_tile)


_BLK = 2000
_NBLK = _N // _BLK


def _layer_body(z_ref, a0_ref, a1_ref, w1_ref, b1_ref, w2_ref, b2_ref,
                gm_ref, bt_ref, bidx_ref, o_ref, p_ref, h_scr, st_scr):
    p = pl.program_id(0)
    i = pl.program_id(1)

    @pl.when(p == 0)
    def _():
        h = z_ref[...] + a0_ref[...] + a1_ref[...]
        u = jnp.dot(h, w1_ref[...], preferred_element_type=jnp.float32)
        u = jnp.maximum(u + b1_ref[...], 0.0)
        v = jnp.dot(u, w2_ref[...], preferred_element_type=jnp.float32)
        v = jnp.maximum(v + b2_ref[...], 0.0)
        h_scr[pl.ds(i * _BLK, _BLK), :] = v

        @pl.when(i == 0)
        def _():
            st_scr[...] = jnp.zeros_like(st_scr)

        inc = jnp.concatenate(
            [jnp.sum(v, axis=0)[None, :], jnp.sum(v * v, axis=0)[None, :]],
            axis=0)
        st_scr[0:2, :] += inc

    @pl.when(p == 1)
    def _():
        inv_n = 1.0 / _N
        mean = st_scr[0, :] * inv_n
        var = st_scr[1, :] * inv_n - mean * mean
        a = gm_ref[0, :] * lax.rsqrt(var + 1e-5)
        cc = bt_ref[0, :] - mean * a
        hp = h_scr[pl.ds(i * _BLK, _BLK), :]
        hn = hp * a[None, :] + cc[None, :]
        o_ref[...] = hn

        b = bidx_ref[0, :]
        oh = (lax.broadcasted_iota(jnp.int32, (_G, _BLK), 0) == b[None, :])
        oh = oh.astype(jnp.float32)

        @pl.when(i == 0)
        def _():
            p_ref[...] = jnp.zeros_like(p_ref)

        p_ref[...] += jnp.dot(oh, hn, preferred_element_type=jnp.float32)


@jax.jit
def _tc_layer(z, a0, a1, w1, b1, w2, b2, gamma, beta, batch3):
    return pl.pallas_call(
        _layer_body,
        grid=(2, _NBLK),
        in_specs=[
            pl.BlockSpec((_BLK, _D), lambda p, i: (i * (1 - p), 0)),
            pl.BlockSpec((_BLK, _D), lambda p, i: (i * (1 - p), 0)),
            pl.BlockSpec((_BLK, _D), lambda p, i: (i * (1 - p), 0)),
            pl.BlockSpec((_D, _H), lambda p, i: (0, 0)),
            pl.BlockSpec((1, _H), lambda p, i: (0, 0)),
            pl.BlockSpec((_H, _H), lambda p, i: (0, 0)),
            pl.BlockSpec((1, _H), lambda p, i: (0, 0)),
            pl.BlockSpec((1, _H), lambda p, i: (0, 0)),
            pl.BlockSpec((1, _H), lambda p, i: (0, 0)),
            pl.BlockSpec((None, 1, _BLK), lambda p, i: (i, 0, 0)),
        ],
        out_specs=[
            pl.BlockSpec((_BLK, _H), lambda p, i: (i * p, 0)),
            pl.BlockSpec((_G, _H), lambda p, i: (0, 0)),
        ],
        out_shape=[
            jax.ShapeDtypeStruct((_N, _H), jnp.float32),
            jax.ShapeDtypeStruct((_G, _H), jnp.float32),
        ],
        scratch_shapes=[
            pltpu.VMEM((_N, _H), jnp.float32),
            pltpu.VMEM((8, _H), jnp.float32),
        ],
    )(z, a0, a1, w1, b1, w2, b2, gamma, beta, batch3)


def kernel(x, edge_index, batch,
           w1_0, b1_0, w2_0, b2_0, gamma_0, beta_0,
           w1_1, b1_1, w2_1, b2_1, gamma_1, beta_1,
           w1_2, b1_2, w2_2, b2_2, gamma_2, beta_2):
    params = [
        (w1_0, b1_0, w2_0, b2_0, gamma_0, beta_0),
        (w1_1, b1_1, w2_1, b2_1, gamma_1, beta_1),
        (w1_2, b1_2, w2_2, b2_2, gamma_2, beta_2),
    ]
    src_r = edge_index[0].reshape(_NW, _EPW)
    dst_r = edge_index[1].reshape(_NW, _NCHUNK, _CHUNK)
    zeros_tile = jnp.zeros((_WB_ROWS, _D), jnp.float32)
    batch3 = batch.reshape(_NBLK, 1, _BLK)

    z = x
    zs = []
    gs = []
    for (w1, b1, w2, b2, gamma, beta) in params:
        agg = _sc_agg(z, src_r, dst_r, zeros_tile)
        hn, pooled = _tc_layer(z, agg[0], agg[1], w1, b1.reshape(1, _H),
                               w2, b2.reshape(1, _H), gamma.reshape(1, _H),
                               beta.reshape(1, _H), batch3)
        zs.append(hn)
        gs.append(pooled)
        z = hn

    z_out = jnp.concatenate(zs, axis=1)
    g_out = jnp.concatenate(gs, axis=1)
    return z_out, g_out

# --- scband reference (transcript-rebuilt; emitter-appended) ---
"""Pipeline reference for scband-gconv-1279900254466 (READ-ONLY COPY).

The authoritative reference and input builder live on the scoring server;
editing this copy changes nothing except your own understanding.
"""

import jax, jax.numpy as jnp
import numpy as np

N = 10000
E = 320000
D = 128
H = 128
L = 3
G = 128


def setup_inputs(seed: int = 0) -> dict:
    key = jax.random.key(seed)
    ks = jax.random.split(key, 16)
    inp = {}
    inp["x"] = jax.random.normal(ks[0], (N, D), dtype=jnp.float32)
    inp["edge_index"] = jax.random.randint(ks[1], (2, E), 0, N, dtype=jnp.int32)
    inp["batch"] = jnp.sort(jax.random.randint(ks[2], (N,), 0, G, dtype=jnp.int32))
    kidx = 3
    for i in range(L):
        din = D if i == 0 else H
        s1 = 1.0 / np.sqrt(din)
        s2 = 1.0 / np.sqrt(H)
        inp[f"w1_{i}"] = jax.random.uniform(ks[kidx + 0], (din, H), minval=-s1, maxval=s1, dtype=jnp.float32)
        inp[f"b1_{i}"] = jax.random.uniform(ks[kidx + 1], (H,), minval=-s1, maxval=s1, dtype=jnp.float32)
        inp[f"w2_{i}"] = jax.random.uniform(ks[kidx + 2], (H, H), minval=-s2, maxval=s2, dtype=jnp.float32)
        inp[f"b2_{i}"] = jax.random.uniform(ks[kidx + 3], (H,), minval=-s2, maxval=s2, dtype=jnp.float32)
        inp[f"gamma_{i}"] = jnp.ones((H,), dtype=jnp.float32)
        inp[f"beta_{i}"] = jnp.zeros((H,), dtype=jnp.float32)
        kidx += 4
    return inp


def _gconv_forward(x, edge_index, batch, params):
    src = edge_index[0]
    dst = edge_index[1]
    z = x
    zs = []
    for (w1, b1, w2, b2, gamma, beta) in params:
        # GINConv (eps=0): nn(x + sum_{j in N(i)} x_j)
        agg = jax.ops.segment_sum(z[src], dst, num_segments=z.shape[0])
        h = z + agg
        h = jax.nn.relu(h @ w1 + b1) @ w2 + b2
        # post-conv ReLU
        h = jax.nn.relu(h)
        # BatchNorm1d in training mode (batch statistics, biased variance)
        mean = jnp.mean(h, axis=0)
        var = jnp.var(h, axis=0)
        h = (h - mean) / jnp.sqrt(var + 1e-5) * gamma + beta
        zs.append(h)
        z = h
    gs = [jax.ops.segment_sum(zz, batch, num_segments=G) for zz in zs]
    z_out = jnp.concatenate(zs, axis=1)
    g_out = jnp.concatenate(gs, axis=1)
    return z_out, g_out


def reference(x, edge_index, batch,
              w1_0, b1_0, w2_0, b2_0, gamma_0, beta_0,
              w1_1, b1_1, w2_1, b2_1, gamma_1, beta_1,
              w1_2, b1_2, w2_2, b2_2, gamma_2, beta_2):
    params = [
        (w1_0, b1_0, w2_0, b2_0, gamma_0, beta_0),
        (w1_1, b1_1, w2_1, b2_1, gamma_1, beta_1),
        (w1_2, b1_2, w2_2, b2_2, gamma_2, beta_2),
    ]
    return _gconv_forward(x, edge_index, batch, params)

if __name__ == "__main__":
    import jax
    _d = setup_inputs()
    print(jax.jit(kernel)(*tuple(_d.values())))

</pallas_src>

<mosaic_0001>
#map = affine_map<(d0, d1) -> (0, 0)>
#map1 = affine_map<(d0, d1) -> (0, 0, 0)>
module attributes {stable_mosaic.version = 14 : i64} {
  func.func @_sc_agg_body(%arg0: i32, %arg1: i32, %arg2: memref<10000x128xf32, #tpu.memory_space<hbm>>, %arg3: memref<32x10000xi32, #tpu.memory_space<hbm>>, %arg4: memref<32x125x80xi32, #tpu.memory_space<hbm>>, %arg5: memref<640x128xf32, #tpu.memory_space<hbm>>, %arg6: memref<2x10000x128xf32, #tpu.memory_space<hbm>>, %arg7: memref<10000xi32, #tpu.memory_space<vmem>>, %arg8: memref<3x80xi32, #tpu.memory_space<vmem>>, %arg9: memref<3x80x128xf32, #tpu.memory_space<vmem>>, %arg10: memref<10000x128xf32, #tpu.memory_space<vmem_shared>>, %arg11: memref<3x!tpu.dma_semaphore, #tpu.memory_space<semaphore_mem>>, %arg12: memref<3x!tpu.dma_semaphore, #tpu.memory_space<semaphore_mem>>) attributes {dimension_semantics = [#tpu.dimension_semantics<core_parallel>, #tpu.dimension_semantics<subcore_parallel>], iteration_bounds = array<i64: 2, 16>, scalar_prefetch = 0 : i64, scratch_operands = 6 : i64, tpu.core_type = #tpu.core_type<sc_vector_subcore>, window_params = [{transform_indices = #map}, {transform_indices = #map}, {transform_indices = #map1}, {transform_indices = #map}, {transform_indices = #map1}]} {
    %mul3A = arith.constant 16 : i32
    %mul3A_0 = arith.muli %arg0, %mul3A : i32
    %add3A = arith.addi %mul3A_0, %arg1 : i32
    "tpu.region"() ({
      %run_scoped3A = tpu.sem_alloc : memref<!tpu.dma_semaphore, #tpu.memory_space<semaphore_mem>>
      %dma_start3A_221 = arith.constant 0 : i32
      %dma_start3A_222 = tpu.memref_slice %arg3[%add3A, %dma_start3A_221] : memref<32x10000xi32, #tpu.memory_space<hbm>> -> memref<1x10000xi32, #tpu.memory_space<hbm>>
      %dma_start3A_223 = tpu.memref_squeeze %dma_start3A_222 : memref<1x10000xi32, #tpu.memory_space<hbm>> -> memref<10000xi32, #tpu.memory_space<hbm>>
      %dma_start3A_224 = arith.constant 0 : i32
      %dma_start3A_225 = tpu.memref_slice %arg3[%add3A, %dma_start3A_224] : memref<32x10000xi32, #tpu.memory_space<hbm>> -> memref<1x10000xi32, #tpu.memory_space<hbm>>
      %dma_start3A_226 = tpu.memref_squeeze %dma_start3A_225 : memref<1x10000xi32, #tpu.memory_space<hbm>> -> memref<10000xi32, #tpu.memory_space<hbm>>
      tpu.enqueue_dma source(%dma_start3A_226 : memref<10000xi32, #tpu.memory_space<hbm>>) target(%arg7 : memref<10000xi32, #tpu.memory_space<vmem>>) target_semaphore(%run_scoped3A : memref<!tpu.dma_semaphore, #tpu.memory_space<semaphore_mem>>)
      %dma_wait3A_227 = arith.constant 0 : i32
      %dma_wait3A_228 = tpu.memref_slice %arg3[%add3A, %dma_wait3A_227] : memref<32x10000xi32, #tpu.memory_space<hbm>> -> memref<1x10000xi32, #tpu.memory_space<hbm>>
      %dma_wait3A_229 = tpu.memref_squeeze %dma_wait3A_228 : memref<1x10000xi32, #tpu.memory_space<hbm>> -> memref<10000xi32, #tpu.memory_space<hbm>>
      %dma_wait3A_230 = arith.constant 0 : i32
      %dma_wait3A_231 = tpu.memref_slice %arg3[%add3A, %dma_wait3A_230] : memref<32x10000xi32, #tpu.memory_space<hbm>> -> memref<1x10000xi32, #tpu.memory_space<hbm>>
      %dma_wait3A_232 = tpu.memref_squeeze %dma_wait3A_231 : memref<1x10000xi32, #tpu.memory_space<hbm>> -> memref<10000xi32, #tpu.memory_space<hbm>>
      tpu.wait_dma2 semaphore(%run_scoped3A : memref<!tpu.dma_semaphore, #tpu.memory_space<semaphore_mem>>) src(%dma_wait3A_232 : memref<10000xi32, #tpu.memory_space<hbm>>) dst(%arg7 : memref<10000xi32, #tpu.memory_space<vmem>>)
      tpu.yield
    }) : () -> ()
    %mul3A_1 = arith.constant 624 : i32
    %mul3A_2 = arith.muli %arg1, %mul3A_1 : i32
    "tpu.region"() ({
      %run_scoped3A = tpu.sem_alloc : memref<!tpu.dma_semaphore, #tpu.memory_space<semaphore_mem>>
      %dma_start3A_221 = arith.constant 0 : i32
      %dma_start3A_222 = tpu.memref_slice %arg10[%mul3A_2, %dma_start3A_221] : memref<10000x128xf32, #tpu.memory_space<vmem_shared>> -> memref<640x128xf32, #tpu.memory_space<vmem_shared>>
      tpu.enqueue_dma source(%arg5 : memref<640x128xf32, #tpu.memory_space<hbm>>) target(%dma_start3A_222 : memref<640x128xf32, #tpu.memory_space<vmem_shared>>) target_semaphore(%run_scoped3A : memref<!tpu.dma_semaphore, #tpu.memory_space<semaphore_mem>>)
      %dma_wait3A_223 = arith.constant 0 : i32
      %dma_wait3A_224 = tpu.memref_slice %arg10[%mul3A_2, %dma_wait3A_223] : memref<10000x128xf32, #tpu.memory_space<vmem_shared>> -> memref<640x128xf32, #tpu.memory_space<vmem_shared>>
      tpu.wait_dma2 semaphore(%run_scoped3A : memref<!tpu.dma_semaphore, #tpu.memory_space<semaphore_mem>>) src(%arg5 : memref<640x128xf32, #tpu.memory_space<hbm>>) dst(%dma_wait3A_224 : memref<640x128xf32, #tpu.memory_space<vmem_shared>>)
      tpu.yield
    }) : () -> ()
    %dma_start3A = arith.constant 0 : i32
    %dma_start3A_3 = arith.constant 0 : i32
    %dma_start3A_4 = arith.constant 0 : i32
    %dma_start3A_5 = arith.constant 0 : i32
    %dma_start3A_6 = tpu.memref_slice %arg9[%dma_start3A, %dma_start3A_4, %dma_start3A_5] : memref<3x80x128xf32, #tpu.memory_space<vmem>> -> memref<1x80x128xf32, #tpu.memory_space<vmem>>
    %dma_start3A_7 = tpu.memref_squeeze %dma_start3A_6 : memref<1x80x128xf32, #tpu.memory_space<vmem>> -> memref<80x128xf32, #tpu.memory_space<vmem>>
    %dma_start3A_8 = arith.constant 0 : i32
    %dma_start3A_9 = tpu.memref_slice %arg7[%dma_start3A_8] : memref<10000xi32, #tpu.memory_space<vmem>> -> memref<80xi32, #tpu.memory_space<vmem>>
    %dma_start3A_10 = arith.constant 0 : i32
    %dma_start3A_11 = arith.constant 0 : i32
    %dma_start3A_12 = tpu.memref_slice %arg2[%dma_start3A_10, %dma_start3A_11] : memref<10000x128xf32, #tpu.memory_space<hbm>> -> memref<10000x128xf32, #tpu.memory_space<hbm>>
    %dma_start3A_13 = tpu.memref_slice %arg11[%dma_start3A_3] : memref<3x!tpu.dma_semaphore, #tpu.memory_space<semaphore_mem>> -> memref<1x!tpu.dma_semaphore, #tpu.memory_space<semaphore_mem>>
    %dma_start3A_14 = tpu.memref_squeeze %dma_start3A_13 : memref<1x!tpu.dma_semaphore, #tpu.memory_space<semaphore_mem>> -> memref<!tpu.dma_semaphore, #tpu.memory_space<semaphore_mem>>
    tpu.enqueue_indirect_dma source(%dma_start3A_12 : memref<10000x128xf32, #tpu.memory_space<hbm>>) target(%dma_start3A_7 : memref<80x128xf32, #tpu.memory_space<vmem>>) offsets(%dma_start3A_9 : memref<80xi32, #tpu.memory_space<vmem>>) semaphore(%dma_start3A_14 : memref<!tpu.dma_semaphore, #tpu.memory_space<semaphore_mem>>)
    %dma_start3A_15 = arith.constant 0 : i32
    %dma_start3A_16 = arith.constant 0 : i32
    %dma_start3A_17 = arith.constant 0 : i32
    %dma_start3A_18 = arith.constant 0 : i32
    %dma_start3A_19 = tpu.memref_slice %arg8[%dma_start3A_16, %dma_start3A_18] : memref<3x80xi32, #tpu.memory_space<vmem>> -> memref<1x80xi32, #tpu.memory_space<vmem>>
    %dma_start3A_20 = tpu.memref_squeeze %dma_start3A_19 : memref<1x80xi32, #tpu.memory_space<vmem>> -> memref<80xi32, #tpu.memory_space<vmem>>
    %dma_start3A_21 = arith.constant 0 : i32
    %dma_start3A_22 = tpu.memref_slice %arg4[%add3A, %dma_start3A_15, %dma_start3A_21] : memref<32x125x80xi32, #tpu.memory_space<hbm>> -> memref<1x1x80xi32, #tpu.memory_space<hbm>>
    %dma_start3A_23 = tpu.memref_squeeze %dma_start3A_22 : memref<1x1x80xi32, #tpu.memory_space<hbm>> -> memref<80xi32, #tpu.memory_space<hbm>>
    %dma_start3A_24 = tpu.memref_slice %arg11[%dma_start3A_17] : memref<3x!tpu.dma_semaphore, #tpu.memory_space<semaphore_mem>> -> memref<1x!tpu.dma_semaphore, #tpu.memory_space<semaphore_mem>>
    %dma_start3A_25 = tpu.memref_squeeze %dma_start3A_24 : memref<1x!tpu.dma_semaphore, #tpu.memory_space<semaphore_mem>> -> memref<!tpu.dma_semaphore, #tpu.memory_space<semaphore_mem>>
    %dma_start3A_26 = arith.constant 0 : i32
    %dma_start3A_27 = tpu.memref_slice %arg8[%dma_start3A_16, %dma_start3A_26] : memref<3x80xi32, #tpu.memory_space<vmem>> -> memref<1x80xi32, #tpu.memory_space<vmem>>
    %dma_start3A_28 = tpu.memref_squeeze %dma_start3A_27 : memref<1x80xi32, #tpu.memory_space<vmem>> -> memref<80xi32, #tpu.memory_space<vmem>>
    %dma_start3A_29 = arith.constant 0 : i32
    %dma_start3A_30 = tpu.memref_slice %arg4[%add3A, %dma_start3A_15, %dma_start3A_29] : memref<32x125x80xi32, #tpu.memory_space<hbm>> -> memref<1x1x80xi32, #tpu.memory_space<hbm>>
    %dma_start3A_31 = tpu.memref_squeeze %dma_start3A_30 : memref<1x1x80xi32, #tpu.memory_space<hbm>> -> memref<80xi32, #tpu.memory_space<hbm>>
    tpu.enqueue_dma source(%dma_start3A_31 : memref<80xi32, #tpu.memory_space<hbm>>) target(%dma_start3A_28 : memref<80xi32, #tpu.memory_space<vmem>>) target_semaphore(%dma_start3A_25 : memref<!tpu.dma_semaphore, #tpu.memory_space<semaphore_mem>>)
    %dma_start3A_32 = arith.constant 1 : i32
    %dma_start3A_33 = arith.constant 1 : i32
    %dma_start3A_34 = arith.constant 0 : i32
    %dma_start3A_35 = arith.constant 0 : i32
    %dma_start3A_36 = tpu.memref_slice %arg9[%dma_start3A_32, %dma_start3A_34, %dma_start3A_35] : memref<3x80x128xf32, #tpu.memory_space<vmem>> -> memref<1x80x128xf32, #tpu.memory_space<vmem>>
    %dma_start3A_37 = tpu.memref_squeeze %dma_start3A_36 : memref<1x80x128xf32, #tpu.memory_space<vmem>> -> memref<80x128xf32, #tpu.memory_space<vmem>>
    %dma_start3A_38 = arith.constant 80 : i32
    %dma_start3A_39 = tpu.memref_slice %arg7[%dma_start3A_38] : memref<10000xi32, #tpu.memory_space<vmem>> -> memref<80xi32, #tpu.memory_space<vmem>>
    %dma_start3A_40 = arith.constant 0 : i32
    %dma_start3A_41 = arith.constant 0 : i32
    %dma_start3A_42 = tpu.memref_slice %arg2[%dma_start3A_40, %dma_start3A_41] : memref<10000x128xf32, #tpu.memory_space<hbm>> -> memref<10000x128xf32, #tpu.memory_space<hbm>>
    %dma_start3A_43 = tpu.memref_slice %arg11[%dma_start3A_33] : memref<3x!tpu.dma_semaphore, #tpu.memory_space<semaphore_mem>> -> memref<1x!tpu.dma_semaphore, #tpu.memory_space<semaphore_mem>>
    %dma_start3A_44 = tpu.memref_squeeze %dma_start3A_43 : memref<1x!tpu.dma_semaphore, #tpu.memory_space<semaphore_mem>> -> memref<!tpu.dma_semaphore, #tpu.memory_space<semaphore_mem>>
    tpu.enqueue_indirect_dma source(%dma_start3A_42 : memref<10000x128xf32, #tpu.memory_space<hbm>>) target(%dma_start3A_37 : memref<80x128xf32, #tpu.memory_space<vmem>>) offsets(%dma_start3A_39 : memref<80xi32, #tpu.memory_space<vmem>>) semaphore(%dma_start3A_44 : memref<!tpu.dma_semaphore, #tpu.memory_space<semaphore_mem>>)
    %dma_start3A_45 = arith.constant 1 : i32
    %dma_start3A_46 = arith.constant 1 : i32
    %dma_start3A_47 = arith.constant 1 : i32
    %dma_start3A_48 = arith.constant 0 : i32
    %dma_start3A_49 = tpu.memref_slice %arg8[%dma_start3A_46, %dma_start3A_48] : memref<3x80xi32, #tpu.memory_space<vmem>> -> memref<1x80xi32, #tpu.memory_space<vmem>>
    %dma_start3A_50 = tpu.memref_squeeze %dma_start3A_49 : memref<1x80xi32, #tpu.memory_space<vmem>> -> memref<80xi32, #tpu.memory_space<vmem>>
    %dma_start3A_51 = arith.constant 0 : i32
    %dma_start3A_52 = tpu.memref_slice %arg4[%add3A, %dma_start3A_45, %dma_start3A_51] : memref<32x125x80xi32, #tpu.memory_space<hbm>> -> memref<1x1x80xi32, #tpu.memory_space<hbm>>
    %dma_start3A_53 = tpu.memref_squeeze %dma_start3A_52 : memref<1x1x80xi32, #tpu.memory_space<hbm>> -> memref<80xi32, #tpu.memory_space<hbm>>
    %dma_start3A_54 = tpu.memref_slice %arg11[%dma_start3A_47] : memref<3x!tpu.dma_semaphore, #tpu.memory_space<semaphore_mem>> -> memref<1x!tpu.dma_semaphore, #tpu.memory_space<semaphore_mem>>
    %dma_start3A_55 = tpu.memref_squeeze %dma_start3A_54 : memref<1x!tpu.dma_semaphore, #tpu.memory_space<semaphore_mem>> -> memref<!tpu.dma_semaphore, #tpu.memory_space<semaphore_mem>>
    %dma_start3A_56 = arith.constant 0 : i32
    %dma_start3A_57 = tpu.memref_slice %arg8[%dma_start3A_46, %dma_start3A_56] : memref<3x80xi32, #tpu.memory_space<vmem>> -> memref<1x80xi32, #tpu.memory_space<vmem>>
    %dma_start3A_58 = tpu.memref_squeeze %dma_start3A_57 : memref<1x80xi32, #tpu.memory_space<vmem>> -> memref<80xi32, #tpu.memory_space<vmem>>
    %dma_start3A_59 = arith.constant 0 : i32
    %dma_start3A_60 = tpu.memref_slice %arg4[%add3A, %dma_start3A_45, %dma_start3A_59] : memref<32x125x80xi32, #tpu.memory_space<hbm>> -> memref<1x1x80xi32, #tpu.memory_space<hbm>>
    %dma_start3A_61 = tpu.memref_squeeze %dma_start3A_60 : memref<1x1x80xi32, #tpu.memory_space<hbm>> -> memref<80xi32, #tpu.memory_space<hbm>>
    tpu.enqueue_dma source(%dma_start3A_61 : memref<80xi32, #tpu.memory_space<hbm>>) target(%dma_start3A_58 : memref<80xi32, #tpu.memory_space<vmem>>) target_semaphore(%dma_start3A_55 : memref<!tpu.dma_semaphore, #tpu.memory_space<semaphore_mem>>)
    %dma_start3A_62 = arith.constant 2 : i32
    %dma_start3A_63 = arith.constant 2 : i32
    %dma_start3A_64 = arith.constant 0 : i32
    %dma_start3A_65 = arith.constant 0 : i32
    %dma_start3A_66 = tpu.memref_slice %arg9[%dma_start3A_62, %dma_start3A_64, %dma_start3A_65] : memref<3x80x128xf32, #tpu.memory_space<vmem>> -> memref<1x80x128xf32, #tpu.memory_space<vmem>>
    %dma_start3A_67 = tpu.memref_squeeze %dma_start3A_66 : memref<1x80x128xf32, #tpu.memory_space<vmem>> -> memref<80x128xf32, #tpu.memory_space<vmem>>
    %dma_start3A_68 = arith.constant 160 : i32
    %dma_start3A_69 = tpu.memref_slice %arg7[%dma_start3A_68] : memref<10000xi32, #tpu.memory_space<vmem>> -> memref<80xi32, #tpu.memory_space<vmem>>
    %dma_start3A_70 = arith.constant 0 : i32
    %dma_start3A_71 = arith.constant 0 : i32
    %dma_start3A_72 = tpu.memref_slice %arg2[%dma_start3A_70, %dma_start3A_71] : memref<10000x128xf32, #tpu.memory_space<hbm>> -> memref<10000x128xf32, #tpu.memory_space<hbm>>
    %dma_start3A_73 = tpu.memref_slice %arg11[%dma_start3A_63] : memref<3x!tpu.dma_semaphore, #tpu.memory_space<semaphore_mem>> -> memref<1x!tpu.dma_semaphore, #tpu.memory_space<semaphore_mem>>
    %dma_start3A_74 = tpu.memref_squeeze %dma_start3A_73 : memref<1x!tpu.dma_semaphore, #tpu.memory_space<semaphore_mem>> -> memref<!tpu.dma_semaphore, #tpu.memory_space<semaphore_mem>>
    tpu.enqueue_indirect_dma source(%dma_start3A_72 : memref<10000x128xf32, #tpu.memory_space<hbm>>) target(%dma_start3A_67 : memref<80x128xf32, #tpu.memory_space<vmem>>) offsets(%dma_start3A_69 : memref<80xi32, #tpu.memory_space<vmem>>) semaphore(%dma_start3A_74 : memref<!tpu.dma_semaphore, #tpu.memory_space<semaphore_mem>>)
    %dma_start3A_75 = arith.constant 2 : i32
    %dma_start3A_76 = arith.constant 2 : i32
    %dma_start3A_77 = arith.constant 2 : i32
    %dma_start3A_78 = arith.constant 0 : i32
    %dma_start3A_79 = tpu.memref_slice %arg8[%dma_start3A_76, %dma_start3A_78] : memref<3x80xi32, #tpu.memory_space<vmem>> -> memref<1x80xi32, #tpu.memory_space<vmem>>
    %dma_start3A_80 = tpu.memref_squeeze %dma_start3A_79 : memref<1x80xi32, #tpu.memory_space<vmem>> -> memref<80xi32, #tpu.memory_space<vmem>>
    %dma_start3A_81 = arith.constant 0 : i32
    %dma_start3A_82 = tpu.memref_slice %arg4[%add3A, %dma_start3A_75, %dma_start3A_81] : memref<32x125x80xi32, #tpu.memory_space<hbm>> -> memref<1x1x80xi32, #tpu.memory_space<hbm>>
    %dma_start3A_83 = tpu.memref_squeeze %dma_start3A_82 : memref<1x1x80xi32, #tpu.memory_space<hbm>> -> memref<80xi32, #tpu.memory_space<hbm>>
    %dma_start3A_84 = tpu.memref_slice %arg11[%dma_start3A_77] : memref<3x!tpu.dma_semaphore, #tpu.memory_space<semaphore_mem>> -> memref<1x!tpu.dma_semaphore, #tpu.memory_space<semaphore_mem>>
    %dma_start3A_85 = tpu.memref_squeeze %dma_start3A_84 : memref<1x!tpu.dma_semaphore, #tpu.memory_space<semaphore_mem>> -> memref<!tpu.dma_semaphore, #tpu.memory_space<semaphore_mem>>
    %dma_start3A_86 = arith.constant 0 : i32
    %dma_start3A_87 = tpu.memref_slice %arg8[%dma_start3A_76, %dma_start3A_86] : memref<3x80xi32, #tpu.memory_space<vmem>> -> memref<1x80xi32, #tpu.memory_space<vmem>>
    %dma_start3A_88 = tpu.memref_squeeze %dma_start3A_87 : memref<1x80xi32, #tpu.memory_space<vmem>> -> memref<80xi32, #tpu.memory_space<vmem>>
    %dma_start3A_89 = arith.constant 0 : i32
    %dma_start3A_90 = tpu.memref_slice %arg4[%add3A, %dma_start3A_75, %dma_start3A_89] : memref<32x125x80xi32, #tpu.memory_space<hbm>> -> memref<1x1x80xi32, #tpu.memory_space<hbm>>
    %dma_start3A_91 = tpu.memref_squeeze %dma_start3A_90 : memref<1x1x80xi32, #tpu.memory_space<hbm>> -> memref<80xi32, #tpu.memory_space<hbm>>
    tpu.enqueue_dma source(%dma_start3A_91 : memref<80xi32, #tpu.memory_space<hbm>>) target(%dma_start3A_88 : memref<80xi32, #tpu.memory_space<vmem>>) target_semaphore(%dma_start3A_85 : memref<!tpu.dma_semaphore, #tpu.memory_space<semaphore_mem>>)
    %barrier3A = arith.constant 0 : index
    tpu.barrier barrier_id(%barrier3A)
    %scan3A = arith.constant 0 : i32
    %scan3A_92 = arith.constant 0 : i32
    %scan3A_93 = arith.constant 41 : i32
    %scan3A_94 = arith.addi %scan3A_92, %scan3A_93 : i32
    %scan3A_95 = arith.constant 1 : i32
    scf.for %scan3A_221 = %scan3A_92 to %scan3A_94 step %scan3A_95  : i32 {
      %mul3A_222 = arith.constant 3 : i32
      %mul3A_223 = arith.muli %scan3A_221, %mul3A_222 : i32
      %add3A_224 = arith.constant 0 : i32
      %add3A_225 = arith.addi %mul3A_223, %add3A_224 : i32
      %dma_wait3A_226 = arith.constant 0 : i32
      %dma_wait3A_227 = arith.constant 0 : i32
      %dma_wait3A_228 = arith.constant 0 : i32
      %dma_wait3A_229 = arith.constant 0 : i32
      %dma_wait3A_230 = tpu.memref_slice %arg9[%dma_wait3A_226, %dma_wait3A_228, %dma_wait3A_229] : memref<3x80x128xf32, #tpu.memory_space<vmem>> -> memref<1x80x128xf32, #tpu.memory_space<vmem>>
      %dma_wait3A_231 = tpu.memref_squeeze %dma_wait3A_230 : memref<1x80x128xf32, #tpu.memory_space<vmem>> -> memref<80x128xf32, #tpu.memory_space<vmem>>
      %dma_wait3A_232 = arith.constant 0 : i32
      %dma_wait3A_233 = tpu.memref_slice %arg7[%dma_wait3A_232] : memref<10000xi32, #tpu.memory_space<vmem>> -> memref<80xi32, #tpu.memory_space<vmem>>
      %dma_wait3A_234 = arith.constant 0 : i32
      %dma_wait3A_235 = arith.constant 0 : i32
      %dma_wait3A_236 = tpu.memref_slice %arg2[%dma_wait3A_234, %dma_wait3A_235] : memref<10000x128xf32, #tpu.memory_space<hbm>> -> memref<10000x128xf32, #tpu.memory_space<hbm>>
      %dma_wait3A_237 = tpu.memref_slice %arg11[%dma_wait3A_227] : memref<3x!tpu.dma_semaphore, #tpu.memory_space<semaphore_mem>> -> memref<1x!tpu.dma_semaphore, #tpu.memory_space<semaphore_mem>>
      %dma_wait3A_238 = tpu.memref_squeeze %dma_wait3A_237 : memref<1x!tpu.dma_semaphore, #tpu.memory_space<semaphore_mem>> -> memref<!tpu.dma_semaphore, #tpu.memory_space<semaphore_mem>>
      tpu.wait_indirect_dma semaphore(%dma_wait3A_238 : memref<!tpu.dma_semaphore, #tpu.memory_space<semaphore_mem>>) src(%dma_wait3A_236 : memref<10000x128xf32, #tpu.memory_space<hbm>>) dst(%dma_wait3A_231 : memref<80x128xf32, #tpu.memory_space<vmem>>)
      %dma_wait3A_239 = arith.constant 0 : i32
      %dma_wait3A_240 = arith.constant 0 : i32
      %dma_wait3A_241 = arith.constant 0 : i32
      %dma_wait3A_242 = arith.constant 0 : i32
      %dma_wait3A_243 = tpu.memref_slice %arg8[%dma_wait3A_240, %dma_wait3A_242] : memref<3x80xi32, #tpu.memory_space<vmem>> -> memref<1x80xi32, #tpu.memory_space<vmem>>
      %dma_wait3A_244 = tpu.memref_squeeze %dma_wait3A_243 : memref<1x80xi32, #tpu.memory_space<vmem>> -> memref<80xi32, #tpu.memory_space<vmem>>
      %dma_wait3A_245 = arith.constant 0 : i32
      %dma_wait3A_246 = tpu.memref_slice %arg4[%add3A, %dma_wait3A_239, %dma_wait3A_245] : memref<32x125x80xi32, #tpu.memory_space<hbm>> -> memref<1x1x80xi32, #tpu.memory_space<hbm>>
      %dma_wait3A_247 = tpu.memref_squeeze %dma_wait3A_246 : memref<1x1x80xi32, #tpu.memory_space<hbm>> -> memref<80xi32, #tpu.memory_space<hbm>>
      %dma_wait3A_248 = tpu.memref_slice %arg11[%dma_wait3A_241] : memref<3x!tpu.dma_semaphore, #tpu.memory_space<semaphore_mem>> -> memref<1x!tpu.dma_semaphore, #tpu.memory_space<semaphore_mem>>
      %dma_wait3A_249 = tpu.memref_squeeze %dma_wait3A_248 : memref<1x!tpu.dma_semaphore, #tpu.memory_space<semaphore_mem>> -> memref<!tpu.dma_semaphore, #tpu.memory_space<semaphore_mem>>
      %dma_wait3A_250 = arith.constant 0 : i32
      %dma_wait3A_251 = tpu.memref_slice %arg8[%dma_wait3A_240, %dma_wait3A_250] : memref<3x80xi32, #tpu.memory_space<vmem>> -> memref<1x80xi32, #tpu.memory_space<vmem>>
      %dma_wait3A_252 = tpu.memref_squeeze %dma_wait3A_251 : memref<1x80xi32, #tpu.memory_space<vmem>> -> memref<80xi32, #tpu.memory_space<vmem>>
      %dma_wait3A_253 = arith.constant 0 : i32
      %dma_wait3A_254 = tpu.memref_slice %arg4[%add3A, %dma_wait3A_239, %dma_wait3A_253] : memref<32x125x80xi32, #tpu.memory_space<hbm>> -> memref<1x1x80xi32, #tpu.memory_space<hbm>>
      %dma_wait3A_255 = tpu.memref_squeeze %dma_wait3A_254 : memref<1x1x80xi32, #tpu.memory_space<hbm>> -> memref<80xi32, #tpu.memory_space<hbm>>
      tpu.wait_dma2 semaphore(%dma_wait3A_249 : memref<!tpu.dma_semaphore, #tpu.memory_space<semaphore_mem>>) src(%dma_wait3A_255 : memref<80xi32, #tpu.memory_space<hbm>>) dst(%dma_wait3A_252 : memref<80xi32, #tpu.memory_space<vmem>>)
      %dma_start3A_256 = arith.constant 0 : i32
      %dma_start3A_257 = arith.constant 0 : i32
      %dma_start3A_258 = arith.constant 0 : i32
      %dma_start3A_259 = arith.constant 0 : i32
      %dma_start3A_260 = arith.constant 0 : i32
      %dma_start3A_261 = tpu.memref_slice %arg9[%dma_start3A_256, %dma_start3A_259, %dma_start3A_260] : memref<3x80x128xf32, #tpu.memory_space<vmem>> -> memref<1x80x128xf32, #tpu.memory_space<vmem>>
      %dma_start3A_262 = tpu.memref_squeeze %dma_start3A_261 : memref<1x80x128xf32, #tpu.memory_space<vmem>> -> memref<80x128xf32, #tpu.memory_space<vmem>>
      %dma_start3A_263 = arith.constant 0 : i32
      %dma_start3A_264 = tpu.memref_slice %arg8[%dma_start3A_257, %dma_start3A_263] : memref<3x80xi32, #tpu.memory_space<vmem>> -> memref<1x80xi32, #tpu.memory_space<vmem>>
      %dma_start3A_265 = tpu.memref_squeeze %dma_start3A_264 : memref<1x80xi32, #tpu.memory_space<vmem>> -> memref<80xi32, #tpu.memory_space<vmem>>
      %dma_start3A_266 = arith.constant 0 : i32
      %dma_start3A_267 = arith.constant 0 : i32
      %dma_start3A_268 = tpu.memref_slice %arg10[%dma_start3A_266, %dma_start3A_267] : memref<10000x128xf32, #tpu.memory_space<vmem_shared>> -> memref<10000x128xf32, #tpu.memory_space<vmem_shared>>
      %dma_start3A_269 = tpu.memref_slice %arg12[%dma_start3A_258] : memref<3x!tpu.dma_semaphore, #tpu.memory_space<semaphore_mem>> -> memref<1x!tpu.dma_semaphore, #tpu.memory_space<semaphore_mem>>
      %dma_start3A_270 = tpu.memref_squeeze %dma_start3A_269 : memref<1x!tpu.dma_semaphore, #tpu.memory_space<semaphore_mem>> -> memref<!tpu.dma_semaphore, #tpu.memory_space<semaphore_mem>>
      tpu.enqueue_indirect_dma source(%dma_start3A_262 : memref<80x128xf32, #tpu.memory_space<vmem>>) target(%dma_start3A_268 : memref<10000x128xf32, #tpu.memory_space<vmem_shared>>) offsets(%dma_start3A_265 : memref<80xi32, #tpu.memory_space<vmem>>) semaphore(%dma_start3A_270 : memref<!tpu.dma_semaphore, #tpu.memory_space<semaphore_mem>>) {add = true}
      %dma_wait3A_271 = arith.constant 0 : i32
      %dma_wait3A_272 = arith.constant 0 : i32
      %dma_wait3A_273 = arith.constant 0 : i32
      %dma_wait3A_274 = arith.constant 0 : i32
      %dma_wait3A_275 = arith.constant 0 : i32
      %dma_wait3A_276 = tpu.memref_slice %arg9[%dma_wait3A_271, %dma_wait3A_274, %dma_wait3A_275] : memref<3x80x128xf32, #tpu.memory_space<vmem>> -> memref<1x80x128xf32, #tpu.memory_space<vmem>>
      %dma_wait3A_277 = tpu.memref_squeeze %dma_wait3A_276 : memref<1x80x128xf32, #tpu.memory_space<vmem>> -> memref<80x128xf32, #tpu.memory_space<vmem>>
      %dma_wait3A_278 = arith.constant 0 : i32
      %dma_wait3A_279 = tpu.memref_slice %arg8[%dma_wait3A_272, %dma_wait3A_278] : memref<3x80xi32, #tpu.memory_space<vmem>> -> memref<1x80xi32, #tpu.memory_space<vmem>>
      %dma_wait3A_280 = tpu.memref_squeeze %dma_wait3A_279 : memref<1x80xi32, #tpu.memory_space<vmem>> -> memref<80xi32, #tpu.memory_space<vmem>>
      %dma_wait3A_281 = arith.constant 0 : i32
      %dma_wait3A_282 = arith.constant 0 : i32
      %dma_wait3A_283 = tpu.memref_slice %arg10[%dma_wait3A_281, %dma_wait3A_282] : memref<10000x128xf32, #tpu.memory_space<vmem_shared>> -> memref<10000x128xf32, #tpu.memory_space<vmem_shared>>
      %dma_wait3A_284 = tpu.memref_slice %arg12[%dma_wait3A_273] : memref<3x!tpu.dma_semaphore, #tpu.memory_space<semaphore_mem>> -> memref<1x!tpu.dma_semaphore, #tpu.memory_space<semaphore_mem>>
      %dma_wait3A_285 = tpu.memref_squeeze %dma_wait3A_284 : memref<1x!tpu.dma_semaphore, #tpu.memory_space<semaphore_mem>> -> memref<!tpu.dma_semaphore, #tpu.memory_space<semaphore_mem>>
      tpu.wait_indirect_dma semaphore(%dma_wait3A_285 : memref<!tpu.dma_semaphore, #tpu.memory_space<semaphore_mem>>) src(%dma_wait3A_277 : memref<80x128xf32, #tpu.memory_space<vmem>>) dst(%dma_wait3A_283 : memref<10000x128xf32, #tpu.memory_space<vmem_shared>>)
      %add3A_286 = arith.constant 3 : i32
      %add3A_287 = arith.addi %add3A_225, %add3A_286 : i32
      %lt3A = arith.constant 125 : i32
      %lt3A_288 = arith.cmpi slt, %add3A_287, %lt3A : i32
      %convert_element_type3A = arith.extui %lt3A_288 : i1 to i32
      %cond3A = arith.constant 0 : i32
      %cond3A_289 = arith.cmpi ne, %convert_element_type3A, %cond3A : i32
      scf.if %cond3A_289 {
        %mul3A_428 = arith.constant 80 : i32
        %mul3A_429 = arith.muli %add3A_287, %mul3A_428 : i32
        %dma_start3A_430 = arith.constant 0 : i32
        %dma_start3A_431 = arith.constant 0 : i32
        %dma_start3A_432 = arith.constant 0 : i32
        %dma_start3A_433 = arith.constant 0 : i32
        %dma_start3A_434 = tpu.memref_slice %arg9[%dma_start3A_430, %dma_start3A_432, %dma_start3A_433] : memref<3x80x128xf32, #tpu.memory_space<vmem>> -> memref<1x80x128xf32, #tpu.memory_space<vmem>>
        %dma_start3A_435 = tpu.memref_squeeze %dma_start3A_434 : memref<1x80x128xf32, #tpu.memory_space<vmem>> -> memref<80x128xf32, #tpu.memory_space<vmem>>
        %dma_start3A_436 = tpu.memref_slice %arg7[%mul3A_429] : memref<10000xi32, #tpu.memory_space<vmem>> -> memref<80xi32, #tpu.memory_space<vmem>>
        %dma_start3A_437 = arith.constant 0 : i32
        %dma_start3A_438 = arith.constant 0 : i32
        %dma_start3A_439 = tpu.memref_slice %arg2[%dma_start3A_437, %dma_start3A_438] : memref<10000x128xf32, #tpu.memory_space<hbm>> -> memref<10000x128xf32, #tpu.memory_space<hbm>>
        %dma_start3A_440 = tpu.memref_slice %arg11[%dma_start3A_431] : memref<3x!tpu.dma_semaphore, #tpu.memory_space<semaphore_mem>> -> memref<1x!tpu.dma_semaphore, #tpu.memory_space<semaphore_mem>>
        %dma_start3A_441 = tpu.memref_squeeze %dma_start3A_440 : memref<1x!tpu.dma_semaphore, #tpu.memory_space<semaphore_mem>> -> memref<!tpu.dma_semaphore, #tpu.memory_space<semaphore_mem>>
        tpu.enqueue_indirect_dma source(%dma_start3A_439 : memref<10000x128xf32, #tpu.memory_space<hbm>>) target(%dma_start3A_435 : memref<80x128xf32, #tpu.memory_space<vmem>>) offsets(%dma_start3A_436 : memref<80xi32, #tpu.memory_space<vmem>>) semaphore(%dma_start3A_441 : memref<!tpu.dma_semaphore, #tpu.memory_space<semaphore_mem>>)
        %dma_start3A_442 = arith.constant 0 : i32
        %dma_start3A_443 = arith.constant 0 : i32
        %dma_start3A_444 = arith.constant 0 : i32
        %dma_start3A_445 = tpu.memref_slice %arg8[%dma_start3A_442, %dma_start3A_444] : memref<3x80xi32, #tpu.memory_space<vmem>> -> memref<1x80xi32, #tpu.memory_space<vmem>>
        %dma_start3A_446 = tpu.memref_squeeze %dma_start3A_445 : memref<1x80xi32, #tpu.memory_space<vmem>> -> memref<80xi32, #tpu.memory_space<vmem>>
        %dma_start3A_447 = arith.constant 0 : i32
        %dma_start3A_448 = tpu.memref_slice %arg4[%add3A, %add3A_287, %dma_start3A_447] : memref<32x125x80xi32, #tpu.memory_space<hbm>> -> memref<1x1x80xi32, #tpu.memory_space<hbm>>
        %dma_start3A_449 = tpu.memref_squeeze %dma_start3A_448 : memref<1x1x80xi32, #tpu.memory_space<hbm>> -> memref<80xi32, #tpu.memory_space<hbm>>
        %dma_start3A_450 = tpu.memref_slice %arg11[%dma_start3A_443] : memref<3x!tpu.dma_semaphore, #tpu.memory_space<semaphore_mem>> -> memref<1x!tpu.dma_semaphore, #tpu.memory_space<semaphore_mem>>
        %dma_start3A_451 = tpu.memref_squeeze %dma_start3A_450 : memref<1x!tpu.dma_semaphore, #tpu.memory_space<semaphore_mem>> -> memref<!tpu.dma_semaphore, #tpu.memory_space<semaphore_mem>>
        %dma_start3A_452 = arith.constant 0 : i32
        %dma_start3A_453 = tpu.memref_slice %arg8[%dma_start3A_442, %dma_start3A_452] : memref<3x80xi32, #tpu.memory_space<vmem>> -> memref<1x80xi32, #tpu.memory_space<vmem>>
        %dma_start3A_454 = tpu.memref_squeeze %dma_start3A_453 : memref<1x80xi32, #tpu.memory_space<vmem>> -> memref<80xi32, #tpu.memory_space<vmem>>
        %dma_start3A_455 = arith.constant 0 : i32
        %dma_start3A_456 = tpu.memref_slice %arg4[%add3A, %add3A_287, %dma_start3A_455] : memref<32x125x80xi32, #tpu.memory_space<hbm>> -> memref<1x1x80xi32, #tpu.memory_space<hbm>>
        %dma_start3A_457 = tpu.memref_squeeze %dma_start3A_456 : memref<1x1x80xi32, #tpu.memory_space<hbm>> -> memref<80xi32, #tpu.memory_space<hbm>>
        tpu.enqueue_dma source(%dma_start3A_457 : memref<80xi32, #tpu.memory_space<hbm>>) target(%dma_start3A_454 : memref<80xi32, #tpu.memory_space<vmem>>) target_semaphore(%dma_start3A_451 : memref<!tpu.dma_semaphore, #tpu.memory_space<semaphore_mem>>)
      } else {
      }
      %add3A_290 = arith.constant 1 : i32
      %add3A_291 = arith.addi %mul3A_223, %add3A_290 : i32
      %dma_wait3A_292 = arith.constant 1 : i32
      %dma_wait3A_293 = arith.constant 1 : i32
      %dma_wait3A_294 = arith.constant 0 : i32
      %dma_wait3A_295 = arith.constant 0 : i32
      %dma_wait3A_296 = tpu.memref_slice %arg9[%dma_wait3A_292, %dma_wait3A_294, %dma_wait3A_295] : memref<3x80x128xf32, #tpu.memory_space<vmem>> -> memref<1x80x128xf32, #tpu.memory_space<vmem>>
      %dma_wait3A_297 = tpu.memref_squeeze %dma_wait3A_296 : memref<1x80x128xf32, #tpu.memory_space<vmem>> -> memref<80x128xf32, #tpu.memory_space<vmem>>
      %dma_wait3A_298 = arith.constant 0 : i32
      %dma_wait3A_299 = tpu.memref_slice %arg7[%dma_wait3A_298] : memref<10000xi32, #tpu.memory_space<vmem>> -> memref<80xi32, #tpu.memory_space<vmem>>
      %dma_wait3A_300 = arith.constant 0 : i32
      %dma_wait3A_301 = arith.constant 0 : i32
      %dma_wait3A_302 = tpu.memref_slice %arg2[%dma_wait3A_300, %dma_wait3A_301] : memref<10000x128xf32, #tpu.memory_space<hbm>> -> memref<10000x128xf32, #tpu.memory_space<hbm>>
      %dma_wait3A_303 = tpu.memref_slice %arg11[%dma_wait3A_293] : memref<3x!tpu.dma_semaphore, #tpu.memory_space<semaphore_mem>> -> memref<1x!tpu.dma_semaphore, #tpu.memory_space<semaphore_mem>>
      %dma_wait3A_304 = tpu.memref_squeeze %dma_wait3A_303 : memref<1x!tpu.dma_semaphore, #tpu.memory_space<semaphore_mem>> -> memref<!tpu.dma_semaphore, #tpu.memory_space<semaphore_mem>>
      tpu.wait_indirect_dma semaphore(%dma_wait3A_304 : memref<!tpu.dma_semaphore, #tpu.memory_space<semaphore_mem>>) src(%dma_wait3A_302 : memref<10000x128xf32, #tpu.memory_space<hbm>>) dst(%dma_wait3A_297 : memref<80x128xf32, #tpu.memory_space<vmem>>)
      %dma_wait3A_305 = arith.constant 0 : i32
      %dma_wait3A_306 = arith.constant 1 : i32
      %dma_wait3A_307 = arith.constant 1 : i32
      %dma_wait3A_308 = arith.constant 0 : i32
      %dma_wait3A_309 = tpu.memref_slice %arg8[%dma_wait3A_306, %dma_wait3A_308] : memref<3x80xi32, #tpu.memory_space<vmem>> -> memref<1x80xi32, #tpu.memory_space<vmem>>
      %dma_wait3A_310 = tpu.memref_squeeze %dma_wait3A_309 : memref<1x80xi32, #tpu.memory_space<vmem>> -> memref<80xi32, #tpu.memory_space<vmem>>
      %dma_wait3A_311 = arith.constant 0 : i32
      %dma_wait3A_312 = tpu.memref_slice %arg4[%add3A, %dma_wait3A_305, %dma_wait3A_311] : memref<32x125x80xi32, #tpu.memory_space<hbm>> -> memref<1x1x80xi32, #tpu.memory_space<hbm>>
      %dma_wait3A_313 = tpu.memref_squeeze %dma_wait3A_312 : memref<1x1x80xi32, #tpu.memory_space<hbm>> -> memref<80xi32, #tpu.memory_space<hbm>>
      %dma_wait3A_314 = tpu.memref_slice %arg11[%dma_wait3A_307] : memref<3x!tpu.dma_semaphore, #tpu.memory_space<semaphore_mem>> -> memref<1x!tpu.dma_semaphore, #tpu.memory_space<semaphore_mem>>
      %dma_wait3A_315 = tpu.memref_squeeze %dma_wait3A_314 : memref<1x!tpu.dma_semaphore, #tpu.memory_space<semaphore_mem>> -> memref<!tpu.dma_semaphore, #tpu.memory_space<semaphore_mem>>
      %dma_wait3A_316 = arith.constant 0 : i32
      %dma_wait3A_317 = tpu.memref_slice %arg8[%dma_wait3A_306, %dma_wait3A_316] : memref<3x80xi32, #tpu.memory_space<vmem>> -> memref<1x80xi32, #tpu.memory_space<vmem>>
      %dma_wait3A_318 = tpu.memref_squeeze %dma_wait3A_317 : memref<1x80xi32, #tpu.memory_space<vmem>> -> memref<80xi32, #tpu.memory_space<vmem>>
      %dma_wait3A_319 = arith.constant 0 : i32
      %dma_wait3A_320 = tpu.memref_slice %arg4[%add3A, %dma_wait3A_305, %dma_wait3A_319] : memref<32x125x80xi32, #tpu.memory_space<hbm>> -> memref<1x1x80xi32, #tpu.memory_space<hbm>>
      %dma_wait3A_321 = tpu.memref_squeeze %dma_wait3A_320 : memref<1x1x80xi32, #tpu.memory_space<hbm>> -> memref<80xi32, #tpu.memory_space<hbm>>
      tpu.wait_dma2 semaphore(%dma_wait3A_315 : memref<!tpu.dma_semaphore, #tpu.memory_space<semaphore_mem>>) src(%dma_wait3A_321 : memref<80xi32, #tpu.memory_space<hbm>>) dst(%dma_wait3A_318 : memref<80xi32, #tpu.memory_space<vmem>>)
      %dma_start3A_322 = arith.constant 1 : i32
      %dma_start3A_323 = arith.constant 1 : i32
      %dma_start3A_324 = arith.constant 1 : i32
      %dma_start3A_325 = arith.constant 0 : i32
      %dma_start3A_326 = arith.constant 0 : i32
      %dma_start3A_327 = tpu.memref_slice %arg9[%dma_start3A_322, %dma_start3A_325, %dma_start3A_326] : memref<3x80x128xf32, #tpu.memory_space<vmem>> -> memref<1x80x128xf32, #tpu.memory_space<vmem>>
      %dma_start3A_328 = tpu.memref_squeeze %dma_start3A_327 : memref<1x80x128xf32, #tpu.memory_space<vmem>> -> memref<80x128xf32, #tpu.memory_space<vmem>>
      %dma_start3A_329 = arith.constant 0 : i32
      %dma_start3A_330 = tpu.memref_slice %arg8[%dma_start3A_323, %dma_start3A_329] : memref<3x80xi32, #tpu.memory_space<vmem>> -> memref<1x80xi32, #tpu.memory_space<vmem>>
      %dma_start3A_331 = tpu.memref_squeeze %dma_start3A_330 : memref<1x80xi32, #tpu.memory_space<vmem>> -> memref<80xi32, #tpu.memory_space<vmem>>
      %dma_start3A_332 = arith.constant 0 : i32
      %dma_start3A_333 = arith.constant 0 : i32
      %dma_start3A_334 = tpu.memref_slice %arg10[%dma_start3A_332, %dma_start3A_333] : memref<10000x128xf32, #tpu.memory_space<vmem_shared>> -> memref<10000x128xf32, #tpu.memory_space<vmem_shared>>
      %dma_start3A_335 = tpu.memref_slice %arg12[%dma_start3A_324] : memref<3x!tpu.dma_semaphore, #tpu.memory_space<semaphore_mem>> -> memref<1x!tpu.dma_semaphore, #tpu.memory_space<semaphore_mem>>
      %dma_start3A_336 = tpu.memref_squeeze %dma_start3A_335 : memref<1x!tpu.dma_semaphore, #tpu.memory_space<semaphore_mem>> -> memref<!tpu.dma_semaphore, #tpu.memory_space<semaphore_mem>>
      tpu.enqueue_indirect_dma source(%dma_start3A_328 : memref<80x128xf32, #tpu.memory_space<vmem>>) target(%dma_start3A_334 : memref<10000x128xf32, #tpu.memory_space<vmem_shared>>) offsets(%dma_start3A_331 : memref<80xi32, #tpu.memory_space<vmem>>) semaphore(%dma_start3A_336 : memref<!tpu.dma_semaphore, #tpu.memory_space<semaphore_mem>>) {add = true}
      %dma_wait3A_337 = arith.constant 1 : i32
      %dma_wait3A_338 = arith.constant 1 : i32
      %dma_wait3A_339 = arith.constant 1 : i32
      %dma_wait3A_340 = arith.constant 0 : i32
      %dma_wait3A_341 = arith.constant 0 : i32
      %dma_wait3A_342 = tpu.memref_slice %arg9[%dma_wait3A_337, %dma_wait3A_340, %dma_wait3A_341] : memref<3x80x128xf32, #tpu.memory_space<vmem>> -> memref<1x80x128xf32, #tpu.memory_space<vmem>>
      %dma_wait3A_343 = tpu.memref_squeeze %dma_wait3A_342 : memref<1x80x128xf32, #tpu.memory_space<vmem>> -> memref<80x128xf32, #tpu.memory_space<vmem>>
      %dma_wait3A_344 = arith.constant 0 : i32
      %dma_wait3A_345 = tpu.memref_slice %arg8[%dma_wait3A_338, %dma_wait3A_344] : memref<3x80xi32, #tpu.memory_space<vmem>> -> memref<1x80xi32, #tpu.memory_space<vmem>>
      %dma_wait3A_346 = tpu.memref_squeeze %dma_wait3A_345 : memref<1x80xi32, #tpu.memory_space<vmem>> -> memref<80xi32, #tpu.memory_space<vmem>>
      %dma_wait3A_347 = arith.constant 0 : i32
      %dma_wait3A_348 = arith.constant 0 : i32
      %dma_wait3A_349 = tpu.memref_slice %arg10[%dma_wait3A_347, %dma_wait3A_348] : memref<10000x128xf32, #tpu.memory_space<vmem_shared>> -> memref<10000x128xf32, #tpu.memory_space<vmem_shared>>
      %dma_wait3A_350 = tpu.memref_slice %arg12[%dma_wait3A_339] : memref<3x!tpu.dma_semaphore, #tpu.memory_space<semaphore_mem>> -> memref<1x!tpu.dma_semaphore, #tpu.memory_space<semaphore_mem>>
      %dma_wait3A_351 = tpu.memref_squeeze %dma_wait3A_350 : memref<1x!tpu.dma_semaphore, #tpu.memory_space<semaphore_mem>> -> memref<!tpu.dma_semaphore, #tpu.memory_space<semaphore_mem>>
      tpu.wait_indirect_dma semaphore(%dma_wait3A_351 : memref<!tpu.dma_semaphore, #tpu.memory_space<semaphore_mem>>) src(%dma_wait3A_343 : memref<80x128xf32, #tpu.memory_space<vmem>>) dst(%dma_wait3A_349 : memref<10000x128xf32, #tpu.memory_space<vmem_shared>>)
      %add3A_352 = arith.constant 3 : i32
      %add3A_353 = arith.addi %add3A_291, %add3A_352 : i32
      %lt3A_354 = arith.constant 125 : i32
      %lt3A_355 = arith.cmpi slt, %add3A_353, %lt3A_354 : i32
      %convert_element_type3A_356 = arith.extui %lt3A_355 : i1 to i32
      %cond3A_357 = arith.constant 0 : i32
      %cond3A_358 = arith.cmpi ne, %convert_element_type3A_356, %cond3A_357 : i32
      scf.if %cond3A_358 {
        %mul3A_428 = arith.constant 80 : i32
        %mul3A_429 = arith.muli %add3A_353, %mul3A_428 : i32
        %dma_start3A_430 = arith.constant 1 : i32
        %dma_start3A_431 = arith.constant 1 : i32
        %dma_start3A_432 = arith.constant 0 : i32
        %dma_start3A_433 = arith.constant 0 : i32
        %dma_start3A_434 = tpu.memref_slice %arg9[%dma_start3A_430, %dma_start3A_432, %dma_start3A_433] : memref<3x80x128xf32, #tpu.memory_space<vmem>> -> memref<1x80x128xf32, #tpu.memory_space<vmem>>
        %dma_start3A_435 = tpu.memref_squeeze %dma_start3A_434 : memref<1x80x128xf32, #tpu.memory_space<vmem>> -> memref<80x128xf32, #tpu.memory_space<vmem>>
        %dma_start3A_436 = tpu.memref_slice %arg7[%mul3A_429] : memref<10000xi32, #tpu.memory_space<vmem>> -> memref<80xi32, #tpu.memory_space<vmem>>
        %dma_start3A_437 = arith.constant 0 : i32
        %dma_start3A_438 = arith.constant 0 : i32
        %dma_start3A_439 = tpu.memref_slice %arg2[%dma_start3A_437, %dma_start3A_438] : memref<10000x128xf32, #tpu.memory_space<hbm>> -> memref<10000x128xf32, #tpu.memory_space<hbm>>
        %dma_start3A_440 = tpu.memref_slice %arg11[%dma_start3A_431] : memref<3x!tpu.dma_semaphore, #tpu.memory_space<semaphore_mem>> -> memref<1x!tpu.dma_semaphore, #tpu.memory_space<semaphore_mem>>
        %dma_start3A_441 = tpu.memref_squeeze %dma_start3A_440 : memref<1x!tpu.dma_semaphore, #tpu.memory_space<semaphore_mem>> -> memref<!tpu.dma_semaphore, #tpu.memory_space<semaphore_mem>>
        tpu.enqueue_indirect_dma source(%dma_start3A_439 : memref<10000x128xf32, #tpu.memory_space<hbm>>) target(%dma_start3A_435 : memref<80x128xf32, #tpu.memory_space<vmem>>) offsets(%dma_start3A_436 : memref<80xi32, #tpu.memory_space<vmem>>) semaphore(%dma_start3A_441 : memref<!tpu.dma_semaphore, #tpu.memory_space<semaphore_mem>>)
        %dma_start3A_442 = arith.constant 1 : i32
        %dma_start3A_443 = arith.constant 1 : i32
        %dma_start3A_444 = arith.constant 0 : i32
        %dma_start3A_445 = tpu.memref_slice %arg8[%dma_start3A_442, %dma_start3A_444] : memref<3x80xi32, #tpu.memory_space<vmem>> -> memref<1x80xi32, #tpu.memory_space<vmem>>
        %dma_start3A_446 = tpu.memref_squeeze %dma_start3A_445 : memref<1x80xi32, #tpu.memory_space<vmem>> -> memref<80xi32, #tpu.memory_space<vmem>>
        %dma_start3A_447 = arith.constant 0 : i32
        %dma_start3A_448 = tpu.memref_slice %arg4[%add3A, %add3A_353, %dma_start3A_447] : memref<32x125x80xi32, #tpu.memory_space<hbm>> -> memref<1x1x80xi32, #tpu.memory_space<hbm>>
        %dma_start3A_449 = tpu.memref_squeeze %dma_start3A_448 : memref<1x1x80xi32, #tpu.memory_space<hbm>> -> memref<80xi32, #tpu.memory_space<hbm>>
        %dma_start3A_450 = tpu.memref_slice %arg11[%dma_start3A_443] : memref<3x!tpu.dma_semaphore, #tpu.memory_space<semaphore_mem>> -> memref<1x!tpu.dma_semaphore, #tpu.memory_space<semaphore_mem>>
        %dma_start3A_451 = tpu.memref_squeeze %dma_start3A_450 : memref<1x!tpu.dma_semaphore, #tpu.memory_space<semaphore_mem>> -> memref<!tpu.dma_semaphore, #tpu.memory_space<semaphore_mem>>
        %dma_start3A_452 = arith.constant 0 : i32
        %dma_start3A_453 = tpu.memref_slice %arg8[%dma_start3A_442, %dma_start3A_452] : memref<3x80xi32, #tpu.memory_space<vmem>> -> memref<1x80xi32, #tpu.memory_space<vmem>>
        %dma_start3A_454 = tpu.memref_squeeze %dma_start3A_453 : memref<1x80xi32, #tpu.memory_space<vmem>> -> memref<80xi32, #tpu.memory_space<vmem>>
        %dma_start3A_455 = arith.constant 0 : i32
        %dma_start3A_456 = tpu.memref_slice %arg4[%add3A, %add3A_353, %dma_start3A_455] : memref<32x125x80xi32, #tpu.memory_space<hbm>> -> memref<1x1x80xi32, #tpu.memory_space<hbm>>
        %dma_start3A_457 = tpu.memref_squeeze %dma_start3A_456 : memref<1x1x80xi32, #tpu.memory_space<hbm>> -> memref<80xi32, #tpu.memory_space<hbm>>
        tpu.enqueue_dma source(%dma_start3A_457 : memref<80xi32, #tpu.memory_space<hbm>>) target(%dma_start3A_454 : memref<80xi32, #tpu.memory_space<vmem>>) target_semaphore(%dma_start3A_451 : memref<!tpu.dma_semaphore, #tpu.memory_space<semaphore_mem>>)
      } else {
      }
      %add3A_359 = arith.constant 2 : i32
      %add3A_360 = arith.addi %mul3A_223, %add3A_359 : i32
      %dma_wait3A_361 = arith.constant 2 : i32
      %dma_wait3A_362 = arith.constant 2 : i32
      %dma_wait3A_363 = arith.constant 0 : i32
      %dma_wait3A_364 = arith.constant 0 : i32
      %dma_wait3A_365 = tpu.memref_slice %arg9[%dma_wait3A_361, %dma_wait3A_363, %dma_wait3A_364] : memref<3x80x128xf32, #tpu.memory_space<vmem>> -> memref<1x80x128xf32, #tpu.memory_space<vmem>>
      %dma_wait3A_366 = tpu.memref_squeeze %dma_wait3A_365 : memref<1x80x128xf32, #tpu.memory_space<vmem>> -> memref<80x128xf32, #tpu.memory_space<vmem>>
      %dma_wait3A_367 = arith.constant 0 : i32
      %dma_wait3A_368 = tpu.memref_slice %arg7[%dma_wait3A_367] : memref<10000xi32, #tpu.memory_space<vmem>> -> memref<80xi32, #tpu.memory_space<vmem>>
      %dma_wait3A_369 = arith.constant 0 : i32
      %dma_wait3A_370 = arith.constant 0 : i32
      %dma_wait3A_371 = tpu.memref_slice %arg2[%dma_wait3A_369, %dma_wait3A_370] : memref<10000x128xf32, #tpu.memory_space<hbm>> -> memref<10000x128xf32, #tpu.memory_space<hbm>>
      %dma_wait3A_372 = tpu.memref_slice %arg11[%dma_wait3A_362] : memref<3x!tpu.dma_semaphore, #tpu.memory_space<semaphore_mem>> -> memref<1x!tpu.dma_semaphore, #tpu.memory_space<semaphore_mem>>
      %dma_wait3A_373 = tpu.memref_squeeze %dma_wait3A_372 : memref<1x!tpu.dma_semaphore, #tpu.memory_space<semaphore_mem>> -> memref<!tpu.dma_semaphore, #tpu.memory_space<semaphore_mem>>
      tpu.wait_indirect_dma semaphore(%dma_wait3A_373 : memref<!tpu.dma_semaphore, #tpu.memory_space<semaphore_mem>>) src(%dma_wait3A_371 : memref<10000x128xf32, #tpu.memory_space<hbm>>) dst(%dma_wait3A_366 : memref<80x128xf32, #tpu.memory_space<vmem>>)
      %dma_wait3A_374 = arith.constant 0 : i32
      %dma_wait3A_375 = arith.constant 2 : i32
      %dma_wait3A_376 = arith.constant 2 : i32
      %dma_wait3A_377 = arith.constant 0 : i32
      %dma_wait3A_378 = tpu.memref_slice %arg8[%dma_wait3A_375, %dma_wait3A_377] : memref<3x80xi32, #tpu.memory_space<vmem>> -> memref<1x80xi32, #tpu.memory_space<vmem>>
      %dma_wait3A_379 = tpu.memref_squeeze %dma_wait3A_378 : memref<1x80xi32, #tpu.memory_space<vmem>> -> memref<80xi32, #tpu.memory_space<vmem>>
      %dma_wait3A_380 = arith.constant 0 : i32
      %dma_wait3A_381 = tpu.memref_slice %arg4[%add3A, %dma_wait3A_374, %dma_wait3A_380] : memref<32x125x80xi32, #tpu.memory_space<hbm>> -> memref<1x1x80xi32, #tpu.memory_space<hbm>>
      %dma_wait3A_382 = tpu.memref_squeeze %dma_wait3A_381 : memref<1x1x80xi32, #tpu.memory_space<hbm>> -> memref<80xi32, #tpu.memory_space<hbm>>
      %dma_wait3A_383 = tpu.memref_slice %arg11[%dma_wait3A_376] : memref<3x!tpu.dma_semaphore, #tpu.memory_space<semaphore_mem>> -> memref<1x!tpu.dma_semaphore, #tpu.memory_space<semaphore_mem>>
      %dma_wait3A_384 = tpu.memref_squeeze %dma_wait3A_383 : memref<1x!tpu.dma_semaphore, #tpu.memory_space<semaphore_mem>> -> memref<!tpu.dma_semaphore, #tpu.memory_space<semaphore_mem>>
      %dma_wait3A_385 = arith.constant 0 : i32
      %dma_wait3A_386 = tpu.memref_slice %arg8[%dma_wait3A_375, %dma_wait3A_385] : memref<3x80xi32, #tpu.memory_space<vmem>> -> memref<1x80xi32, #tpu.memory_space<vmem>>
      %dma_wait3A_387 = tpu.memref_squeeze %dma_wait3A_386 : memref<1x80xi32, #tpu.memory_space<vmem>> -> memref<80xi32, #tpu.memory_space<vmem>>
      %dma_wait3A_388 = arith.constant 0 : i32
      %dma_wait3A_389 = tpu.memref_slice %arg4[%add3A, %dma_wait3A_374, %dma_wait3A_388] : memref<32x125x80xi32, #tpu.memory_space<hbm>> -> memref<1x1x80xi32, #tpu.memory_space<hbm>>
      %dma_wait3A_390 = tpu.memref_squeeze %dma_wait3A_389 : memref<1x1x80xi32, #tpu.memory_space<hbm>> -> memref<80xi32, #tpu.memory_space<hbm>>
      tpu.wait_dma2 semaphore(%dma_wait3A_384 : memref<!tpu.dma_semaphore, #tpu.memory_space<semaphore_mem>>) src(%dma_wait3A_390 : memref<80xi32, #tpu.memory_space<hbm>>) dst(%dma_wait3A_387 : memref<80xi32, #tpu.memory_space<vmem>>)
      %dma_start3A_391 = arith.constant 2 : i32
      %dma_start3A_392 = arith.constant 2 : i32
      %dma_start3A_393 = arith.constant 2 : i32
      %dma_start3A_394 = arith.constant 0 : i32
      %dma_start3A_395 = arith.constant 0 : i32
      %dma_start3A_396 = tpu.memref_slice %arg9[%dma_start3A_391, %dma_start3A_394, %dma_start3A_395] : memref<3x80x128xf32, #tpu.memory_space<vmem>> -> memref<1x80x128xf32, #tpu.memory_space<vmem>>
      %dma_start3A_397 = tpu.memref_squeeze %dma_start3A_396 : memref<1x80x128xf32, #tpu.memory_space<vmem>> -> memref<80x128xf32, #tpu.memory_space<vmem>>
      %dma_start3A_398 = arith.constant 0 : i32
      %dma_start3A_399 = tpu.memref_slice %arg8[%dma_start3A_392, %dma_start3A_398] : memref<3x80xi32, #tpu.memory_space<vmem>> -> memref<1x80xi32, #tpu.memory_space<vmem>>
      %dma_start3A_400 = tpu.memref_squeeze %dma_start3A_399 : memref<1x80xi32, #tpu.memory_space<vmem>> -> memref<80xi32, #tpu.memory_space<vmem>>
      %dma_start3A_401 = arith.constant 0 : i32
      %dma_start3A_402 = arith.constant 0 : i32
      %dma_start3A_403 = tpu.memref_slice %arg10[%dma_start3A_401, %dma_start3A_402] : memref<10000x128xf32, #tpu.memory_space<vmem_shared>> -> memref<10000x128xf32, #tpu.memory_space<vmem_shared>>
      %dma_start3A_404 = tpu.memref_slice %arg12[%dma_start3A_393] : memref<3x!tpu.dma_semaphore, #tpu.memory_space<semaphore_mem>> -> memref<1x!tpu.dma_semaphore, #tpu.memory_space<semaphore_mem>>
      %dma_start3A_405 = tpu.memref_squeeze %dma_start3A_404 : memref<1x!tpu.dma_semaphore, #tpu.memory_space<semaphore_mem>> -> memref<!tpu.dma_semaphore, #tpu.memory_space<semaphore_mem>>
      tpu.enqueue_indirect_dma source(%dma_start3A_397 : memref<80x128xf32, #tpu.memory_space<vmem>>) target(%dma_start3A_403 : memref<10000x128xf32, #tpu.memory_space<vmem_shared>>) offsets(%dma_start3A_400 : memref<80xi32, #tpu.memory_space<vmem>>) semaphore(%dma_start3A_405 : memref<!tpu.dma_semaphore, #tpu.memory_space<semaphore_mem>>) {add = true}
      %dma_wait3A_406 = arith.constant 2 : i32
      %dma_wait3A_407 = arith.constant 2 : i32
      %dma_wait3A_408 = arith.constant 2 : i32
      %dma_wait3A_409 = arith.constant 0 : i32
      %dma_wait3A_410 = arith.constant 0 : i32
      %dma_wait3A_411 = tpu.memref_slice %arg9[%dma_wait3A_406, %dma_wait3A_409, %dma_wait3A_410] : memref<3x80x128xf32, #tpu.memory_space<vmem>> -> memref<1x80x128xf32, #tpu.memory_space<vmem>>
      %dma_wait3A_412 = tpu.memref_squeeze %dma_wait3A_411 : memref<1x80x128xf32, #tpu.memory_space<vmem>> -> memref<80x128xf32, #tpu.memory_space<vmem>>
      %dma_wait3A_413 = arith.constant 0 : i32
      %dma_wait3A_414 = tpu.memref_slice %arg8[%dma_wait3A_407, %dma_wait3A_413] : memref<3x80xi32, #tpu.memory_space<vmem>> -> memref<1x80xi32, #tpu.memory_space<vmem>>
      %dma_wait3A_415 = tpu.memref_squeeze %dma_wait3A_414 : memref<1x80xi32, #tpu.memory_space<vmem>> -> memref<80xi32, #tpu.memory_space<vmem>>
      %dma_wait3A_416 = arith.constant 0 : i32
      %dma_wait3A_417 = arith.constant 0 : i32
      %dma_wait3A_418 = tpu.memref_slice %arg10[%dma_wait3A_416, %dma_wait3A_417] : memref<10000x128xf32, #tpu.memory_space<vmem_shared>> -> memref<10000x128xf32, #tpu.memory_space<vmem_shared>>
      %dma_wait3A_419 = tpu.memref_slice %arg12[%dma_wait3A_408] : memref<3x!tpu.dma_semaphore, #tpu.memory_space<semaphore_mem>> -> memref<1x!tpu.dma_semaphore, #tpu.memory_space<semaphore_mem>>
      %dma_wait3A_420 = tpu.memref_squeeze %dma_wait3A_419 : memref<1x!tpu.dma_semaphore, #tpu.memory_space<semaphore_mem>> -> memref<!tpu.dma_semaphore, #tpu.memory_space<semaphore_mem>>
      tpu.wait_indirect_dma semaphore(%dma_wait3A_420 : memref<!tpu.dma_semaphore, #tpu.memory_space<semaphore_mem>>) src(%dma_wait3A_412 : memref<80x128xf32, #tpu.memory_space<vmem>>) dst(%dma_wait3A_418 : memref<10000x128xf32, #tpu.memory_space<vmem_shared>>)
      %add3A_421 = arith.constant 3 : i32
      %add3A_422 = arith.addi %add3A_360, %add3A_421 : i32
      %lt3A_423 = arith.constant 125 : i32
      %lt3A_424 = arith.cmpi slt, %add3A_422, %lt3A_423 : i32
      %convert_element_type3A_425 = arith.extui %lt3A_424 : i1 to i32
      %cond3A_426 = arith.constant 0 : i32
      %cond3A_427 = arith.cmpi ne, %convert_element_type3A_425, %cond3A_426 : i32
      scf.if %cond3A_427 {
        %mul3A_428 = arith.constant 80 : i32
        %mul3A_429 = arith.muli %add3A_422, %mul3A_428 : i32
        %dma_start3A_430 = arith.constant 2 : i32
        %dma_start3A_431 = arith.constant 2 : i32
        %dma_start3A_432 = arith.constant 0 : i32
        %dma_start3A_433 = arith.constant 0 : i32
        %dma_start3A_434 = tpu.memref_slice %arg9[%dma_start3A_430, %dma_start3A_432, %dma_start3A_433] : memref<3x80x128xf32, #tpu.memory_space<vmem>> -> memref<1x80x128xf32, #tpu.memory_space<vmem>>
        %dma_start3A_435 = tpu.memref_squeeze %dma_start3A_434 : memref<1x80x128xf32, #tpu.memory_space<vmem>> -> memref<80x128xf32, #tpu.memory_space<vmem>>
        %dma_start3A_436 = tpu.memref_slice %arg7[%mul3A_429] : memref<10000xi32, #tpu.memory_space<vmem>> -> memref<80xi32, #tpu.memory_space<vmem>>
        %dma_start3A_437 = arith.constant 0 : i32
        %dma_start3A_438 = arith.constant 0 : i32
        %dma_start3A_439 = tpu.memref_slice %arg2[%dma_start3A_437, %dma_start3A_438] : memref<10000x128xf32, #tpu.memory_space<hbm>> -> memref<10000x128xf32, #tpu.memory_space<hbm>>
        %dma_start3A_440 = tpu.memref_slice %arg11[%dma_start3A_431] : memref<3x!tpu.dma_semaphore, #tpu.memory_space<semaphore_mem>> -> memref<1x!tpu.dma_semaphore, #tpu.memory_space<semaphore_mem>>
        %dma_start3A_441 = tpu.memref_squeeze %dma_start3A_440 : memref<1x!tpu.dma_semaphore, #tpu.memory_space<semaphore_mem>> -> memref<!tpu.dma_semaphore, #tpu.memory_space<semaphore_mem>>
        tpu.enqueue_indirect_dma source(%dma_start3A_439 : memref<10000x128xf32, #tpu.memory_space<hbm>>) target(%dma_start3A_435 : memref<80x128xf32, #tpu.memory_space<vmem>>) offsets(%dma_start3A_436 : memref<80xi32, #tpu.memory_space<vmem>>) semaphore(%dma_start3A_441 : memref<!tpu.dma_semaphore, #tpu.memory_space<semaphore_mem>>)
        %dma_start3A_442 = arith.constant 2 : i32
        %dma_start3A_443 = arith.constant 2 : i32
        %dma_start3A_444 = arith.constant 0 : i32
        %dma_start3A_445 = tpu.memref_slice %arg8[%dma_start3A_442, %dma_start3A_444] : memref<3x80xi32, #tpu.memory_space<vmem>> -> memref<1x80xi32, #tpu.memory_space<vmem>>
        %dma_start3A_446 = tpu.memref_squeeze %dma_start3A_445 : memref<1x80xi32, #tpu.memory_space<vmem>> -> memref<80xi32, #tpu.memory_space<vmem>>
        %dma_start3A_447 = arith.constant 0 : i32
        %dma_start3A_448 = tpu.memref_slice %arg4[%add3A, %add3A_422, %dma_start3A_447] : memref<32x125x80xi32, #tpu.memory_space<hbm>> -> memref<1x1x80xi32, #tpu.memory_space<hbm>>
        %dma_start3A_449 = tpu.memref_squeeze %dma_start3A_448 : memref<1x1x80xi32, #tpu.memory_space<hbm>> -> memref<80xi32, #tpu.memory_space<hbm>>
        %dma_start3A_450 = tpu.memref_slice %arg11[%dma_start3A_443] : memref<3x!tpu.dma_semaphore, #tpu.memory_space<semaphore_mem>> -> memref<1x!tpu.dma_semaphore, #tpu.memory_space<semaphore_mem>>
        %dma_start3A_451 = tpu.memref_squeeze %dma_start3A_450 : memref<1x!tpu.dma_semaphore, #tpu.memory_space<semaphore_mem>> -> memref<!tpu.dma_semaphore, #tpu.memory_space<semaphore_mem>>
        %dma_start3A_452 = arith.constant 0 : i32
        %dma_start3A_453 = tpu.memref_slice %arg8[%dma_start3A_442, %dma_start3A_452] : memref<3x80xi32, #tpu.memory_space<vmem>> -> memref<1x80xi32, #tpu.memory_space<vmem>>
        %dma_start3A_454 = tpu.memref_squeeze %dma_start3A_453 : memref<1x80xi32, #tpu.memory_space<vmem>> -> memref<80xi32, #tpu.memory_space<vmem>>
        %dma_start3A_455 = arith.constant 0 : i32
        %dma_start3A_456 = tpu.memref_slice %arg4[%add3A, %add3A_422, %dma_start3A_455] : memref<32x125x80xi32, #tpu.memory_space<hbm>> -> memref<1x1x80xi32, #tpu.memory_space<hbm>>
        %dma_start3A_457 = tpu.memref_squeeze %dma_start3A_456 : memref<1x1x80xi32, #tpu.memory_space<hbm>> -> memref<80xi32, #tpu.memory_space<hbm>>
        tpu.enqueue_dma source(%dma_start3A_457 : memref<80xi32, #tpu.memory_space<hbm>>) target(%dma_start3A_454 : memref<80xi32, #tpu.memory_space<vmem>>) target_semaphore(%dma_start3A_451 : memref<!tpu.dma_semaphore, #tpu.memory_space<semaphore_mem>>)
      } else {
      }
    }
    %scan3A_96 = arith.constant 41 : i32
    %dma_wait3A = arith.constant 0 : i32
    %dma_wait3A_97 = arith.constant 0 : i32
    %dma_wait3A_98 = arith.constant 0 : i32
    %dma_wait3A_99 = arith.constant 0 : i32
    %dma_wait3A_100 = tpu.memref_slice %arg9[%dma_wait3A, %dma_wait3A_98, %dma_wait3A_99] : memref<3x80x128xf32, #tpu.memory_space<vmem>> -> memref<1x80x128xf32, #tpu.memory_space<vmem>>
    %dma_wait3A_101 = tpu.memref_squeeze %dma_wait3A_100 : memref<1x80x128xf32, #tpu.memory_space<vmem>> -> memref<80x128xf32, #tpu.memory_space<vmem>>
    %dma_wait3A_102 = arith.constant 0 : i32
    %dma_wait3A_103 = tpu.memref_slice %arg7[%dma_wait3A_102] : memref<10000xi32, #tpu.memory_space<vmem>> -> memref<80xi32, #tpu.memory_space<vmem>>
    %dma_wait3A_104 = arith.constant 0 : i32
    %dma_wait3A_105 = arith.constant 0 : i32
    %dma_wait3A_106 = tpu.memref_slice %arg2[%dma_wait3A_104, %dma_wait3A_105] : memref<10000x128xf32, #tpu.memory_space<hbm>> -> memref<10000x128xf32, #tpu.memory_space<hbm>>
    %dma_wait3A_107 = tpu.memref_slice %arg11[%dma_wait3A_97] : memref<3x!tpu.dma_semaphore, #tpu.memory_space<semaphore_mem>> -> memref<1x!tpu.dma_semaphore, #tpu.memory_space<semaphore_mem>>
    %dma_wait3A_108 = tpu.memref_squeeze %dma_wait3A_107 : memref<1x!tpu.dma_semaphore, #tpu.memory_space<semaphore_mem>> -> memref<!tpu.dma_semaphore, #tpu.memory_space<semaphore_mem>>
    tpu.wait_indirect_dma semaphore(%dma_wait3A_108 : memref<!tpu.dma_semaphore, #tpu.memory_space<semaphore_mem>>) src(%dma_wait3A_106 : memref<10000x128xf32, #tpu.memory_space<hbm>>) dst(%dma_wait3A_101 : memref<80x128xf32, #tpu.memory_space<vmem>>)
    %dma_wait3A_109 = arith.constant 0 : i32
    %dma_wait3A_110 = arith.constant 0 : i32
    %dma_wait3A_111 = arith.constant 0 : i32
    %dma_wait3A_112 = arith.constant 0 : i32
    %dma_wait3A_113 = tpu.memref_slice %arg8[%dma_wait3A_110, %dma_wait3A_112] : memref<3x80xi32, #tpu.memory_space<vmem>> -> memref<1x80xi32, #tpu.memory_space<vmem>>
    %dma_wait3A_114 = tpu.memref_squeeze %dma_wait3A_113 : memref<1x80xi32, #tpu.memory_space<vmem>> -> memref<80xi32, #tpu.memory_space<vmem>>
    %dma_wait3A_115 = arith.constant 0 : i32
    %dma_wait3A_116 = tpu.memref_slice %arg4[%add3A, %dma_wait3A_109, %dma_wait3A_115] : memref<32x125x80xi32, #tpu.memory_space<hbm>> -> memref<1x1x80xi32, #tpu.memory_space<hbm>>
    %dma_wait3A_117 = tpu.memref_squeeze %dma_wait3A_116 : memref<1x1x80xi32, #tpu.memory_space<hbm>> -> memref<80xi32, #tpu.memory_space<hbm>>
    %dma_wait3A_118 = tpu.memref_slice %arg11[%dma_wait3A_111] : memref<3x!tpu.dma_semaphore, #tpu.memory_space<semaphore_mem>> -> memref<1x!tpu.dma_semaphore, #tpu.memory_space<semaphore_mem>>
    %dma_wait3A_119 = tpu.memref_squeeze %dma_wait3A_118 : memref<1x!tpu.dma_semaphore, #tpu.memory_space<semaphore_mem>> -> memref<!tpu.dma_semaphore, #tpu.memory_space<semaphore_mem>>
    %dma_wait3A_120 = arith.constant 0 : i32
    %dma_wait3A_121 = tpu.memref_slice %arg8[%dma_wait3A_110, %dma_wait3A_120] : memref<3x80xi32, #tpu.memory_space<vmem>> -> memref<1x80xi32, #tpu.memory_space<vmem>>
    %dma_wait3A_122 = tpu.memref_squeeze %dma_wait3A_121 : memref<1x80xi32, #tpu.memory_space<vmem>> -> memref<80xi32, #tpu.memory_space<vmem>>
    %dma_wait3A_123 = arith.constant 0 : i32
    %dma_wait3A_124 = tpu.memref_slice %arg4[%add3A, %dma_wait3A_109, %dma_wait3A_123] : memref<32x125x80xi32, #tpu.memory_space<hbm>> -> memref<1x1x80xi32, #tpu.memory_space<hbm>>
    %dma_wait3A_125 = tpu.memref_squeeze %dma_wait3A_124 : memref<1x1x80xi32, #tpu.memory_space<hbm>> -> memref<80xi32, #tpu.memory_space<hbm>>
    tpu.wait_dma2 semaphore(%dma_wait3A_119 : memref<!tpu.dma_semaphore, #tpu.memory_space<semaphore_mem>>) src(%dma_wait3A_125 : memref<80xi32, #tpu.memory_space<hbm>>) dst(%dma_wait3A_122 : memref<80xi32, #tpu.memory_space<vmem>>)
    %dma_start3A_126 = arith.constant 0 : i32
    %dma_start3A_127 = arith.constant 0 : i32
    %dma_start3A_128 = arith.constant 0 : i32
    %dma_start3A_129 = arith.constant 0 : i32
    %dma_start3A_130 = arith.constant 0 : i32
    %dma_start3A_131 = tpu.memref_slice %arg9[%dma_start3A_126, %dma_start3A_129, %dma_start3A_130] : memref<3x80x128xf32, #tpu.memory_space<vmem>> -> memref<1x80x128xf32, #tpu.memory_space<vmem>>
    %dma_start3A_132 = tpu.memref_squeeze %dma_start3A_131 : memref<1x80x128xf32, #tpu.memory_space<vmem>> -> memref<80x128xf32, #tpu.memory_space<vmem>>
    %dma_start3A_133 = arith.constant 0 : i32
    %dma_start3A_134 = tpu.memref_slice %arg8[%dma_start3A_127, %dma_start3A_133] : memref<3x80xi32, #tpu.memory_space<vmem>> -> memref<1x80xi32, #tpu.memory_space<vmem>>
    %dma_start3A_135 = tpu.memref_squeeze %dma_start3A_134 : memref<1x80xi32, #tpu.memory_space<vmem>> -> memref<80xi32, #tpu.memory_space<vmem>>
    %dma_start3A_136 = arith.constant 0 : i32
    %dma_start3A_137 = arith.constant 0 : i32
    %dma_start3A_138 = tpu.memref_slice %arg10[%dma_start3A_136, %dma_start3A_137] : memref<10000x128xf32, #tpu.memory_space<vmem_shared>> -> memref<10000x128xf32, #tpu.memory_space<vmem_shared>>
    %dma_start3A_139 = tpu.memref_slice %arg12[%dma_start3A_128] : memref<3x!tpu.dma_semaphore, #tpu.memory_space<semaphore_mem>> -> memref<1x!tpu.dma_semaphore, #tpu.memory_space<semaphore_mem>>
    %dma_start3A_140 = tpu.memref_squeeze %dma_start3A_139 : memref<1x!tpu.dma_semaphore, #tpu.memory_space<semaphore_mem>> -> memref<!tpu.dma_semaphore, #tpu.memory_space<semaphore_mem>>
    tpu.enqueue_indirect_dma source(%dma_start3A_132 : memref<80x128xf32, #tpu.memory_space<vmem>>) target(%dma_start3A_138 : memref<10000x128xf32, #tpu.memory_space<vmem_shared>>) offsets(%dma_start3A_135 : memref<80xi32, #tpu.memory_space<vmem>>) semaphore(%dma_start3A_140 : memref<!tpu.dma_semaphore, #tpu.memory_space<semaphore_mem>>) {add = true}
    %dma_wait3A_141 = arith.constant 0 : i32
    %dma_wait3A_142 = arith.constant 0 : i32
    %dma_wait3A_143 = arith.constant 0 : i32
    %dma_wait3A_144 = arith.constant 0 : i32
    %dma_wait3A_145 = arith.constant 0 : i32
    %dma_wait3A_146 = tpu.memref_slice %arg9[%dma_wait3A_141, %dma_wait3A_144, %dma_wait3A_145] : memref<3x80x128xf32, #tpu.memory_space<vmem>> -> memref<1x80x128xf32, #tpu.memory_space<vmem>>
    %dma_wait3A_147 = tpu.memref_squeeze %dma_wait3A_146 : memref<1x80x128xf32, #tpu.memory_space<vmem>> -> memref<80x128xf32, #tpu.memory_space<vmem>>
    %dma_wait3A_148 = arith.constant 0 : i32
    %dma_wait3A_149 = tpu.memref_slice %arg8[%dma_wait3A_142, %dma_wait3A_148] : memref<3x80xi32, #tpu.memory_space<vmem>> -> memref<1x80xi32, #tpu.memory_space<vmem>>
    %dma_wait3A_150 = tpu.memref_squeeze %dma_wait3A_149 : memref<1x80xi32, #tpu.memory_space<vmem>> -> memref<80xi32, #tpu.memory_space<vmem>>
    %dma_wait3A_151 = arith.constant 0 : i32
    %dma_wait3A_152 = arith.constant 0 : i32
    %dma_wait3A_153 = tpu.memref_slice %arg10[%dma_wait3A_151, %dma_wait3A_152] : memref<10000x128xf32, #tpu.memory_space<vmem_shared>> -> memref<10000x128xf32, #tpu.memory_space<vmem_shared>>
    %dma_wait3A_154 = tpu.memref_slice %arg12[%dma_wait3A_143] : memref<3x!tpu.dma_semaphore, #tpu.memory_space<semaphore_mem>> -> memref<1x!tpu.dma_semaphore, #tpu.memory_space<semaphore_mem>>
    %dma_wait3A_155 = tpu.memref_squeeze %dma_wait3A_154 : memref<1x!tpu.dma_semaphore, #tpu.memory_space<semaphore_mem>> -> memref<!tpu.dma_semaphore, #tpu.memory_space<semaphore_mem>>
    tpu.wait_indirect_dma semaphore(%dma_wait3A_155 : memref<!tpu.dma_semaphore, #tpu.memory_space<semaphore_mem>>) src(%dma_wait3A_147 : memref<80x128xf32, #tpu.memory_space<vmem>>) dst(%dma_wait3A_153 : memref<10000x128xf32, #tpu.memory_space<vmem_shared>>)
    %dma_wait3A_156 = arith.constant 1 : i32
    %dma_wait3A_157 = arith.constant 1 : i32
    %dma_wait3A_158 = arith.constant 0 : i32
    %dma_wait3A_159 = arith.constant 0 : i32
    %dma_wait3A_160 = tpu.memref_slice %arg9[%dma_wait3A_156, %dma_wait3A_158, %dma_wait3A_159] : memref<3x80x128xf32, #tpu.memory_space<vmem>> -> memref<1x80x128xf32, #tpu.memory_space<vmem>>
    %dma_wait3A_161 = tpu.memref_squeeze %dma_wait3A_160 : memref<1x80x128xf32, #tpu.memory_space<vmem>> -> memref<80x128xf32, #tpu.memory_space<vmem>>
    %dma_wait3A_162 = arith.constant 0 : i32
    %dma_wait3A_163 = tpu.memref_slice %arg7[%dma_wait3A_162] : memref<10000xi32, #tpu.memory_space<vmem>> -> memref<80xi32, #tpu.memory_space<vmem>>
    %dma_wait3A_164 = arith.constant 0 : i32
    %dma_wait3A_165 = arith.constant 0 : i32
    %dma_wait3A_166 = tpu.memref_slice %arg2[%dma_wait3A_164, %dma_wait3A_165] : memref<10000x128xf32, #tpu.memory_space<hbm>> -> memref<10000x128xf32, #tpu.memory_space<hbm>>
    %dma_wait3A_167 = tpu.memref_slice %arg11[%dma_wait3A_157] : memref<3x!tpu.dma_semaphore, #tpu.memory_space<semaphore_mem>> -> memref<1x!tpu.dma_semaphore, #tpu.memory_space<semaphore_mem>>
    %dma_wait3A_168 = tpu.memref_squeeze %dma_wait3A_167 : memref<1x!tpu.dma_semaphore, #tpu.memory_space<semaphore_mem>> -> memref<!tpu.dma_semaphore, #tpu.memory_space<semaphore_mem>>
    tpu.wait_indirect_dma semaphore(%dma_wait3A_168 : memref<!tpu.dma_semaphore, #tpu.memory_space<semaphore_mem>>) src(%dma_wait3A_166 : memref<10000x128xf32, #tpu.memory_space<hbm>>) dst(%dma_wait3A_161 : memref<80x128xf32, #tpu.memory_space<vmem>>)
    %dma_wait3A_169 = arith.constant 0 : i32
    %dma_wait3A_170 = arith.constant 1 : i32
    %dma_wait3A_171 = arith.constant 1 : i32
    %dma_wait3A_172 = arith.constant 0 : i32
    %dma_wait3A_173 = tpu.memref_slice %arg8[%dma_wait3A_170, %dma_wait3A_172] : memref<3x80xi32, #tpu.memory_space<vmem>> -> memref<1x80xi32, #tpu.memory_space<vmem>>
    %dma_wait3A_174 = tpu.memref_squeeze %dma_wait3A_173 : memref<1x80xi32, #tpu.memory_space<vmem>> -> memref<80xi32, #tpu.memory_space<vmem>>
    %dma_wait3A_175 = arith.constant 0 : i32
    %dma_wait3A_176 = tpu.memref_slice %arg4[%add3A, %dma_wait3A_169, %dma_wait3A_175] : memref<32x125x80xi32, #tpu.memory_space<hbm>> -> memref<1x1x80xi32, #tpu.memory_space<hbm>>
    %dma_wait3A_177 = tpu.memref_squeeze %dma_wait3A_176 : memref<1x1x80xi32, #tpu.memory_space<hbm>> -> memref<80xi32, #tpu.memory_space<hbm>>
    %dma_wait3A_178 = tpu.memref_slice %arg11[%dma_wait3A_171] : memref<3x!tpu.dma_semaphore, #tpu.memory_space<semaphore_mem>> -> memref<1x!tpu.dma_semaphore, #tpu.memory_space<semaphore_mem>>
    %dma_wait3A_179 = tpu.memref_squeeze %dma_wait3A_178 : memref<1x!tpu.dma_semaphore, #tpu.memory_space<semaphore_mem>> -> memref<!tpu.dma_semaphore, #tpu.memory_space<semaphore_mem>>
    %dma_wait3A_180 = arith.constant 0 : i32
    %dma_wait3A_181 = tpu.memref_slice %arg8[%dma_wait3A_170, %dma_wait3A_180] : memref<3x80xi32, #tpu.memory_space<vmem>> -> memref<1x80xi32, #tpu.memory_space<vmem>>
    %dma_wait3A_182 = tpu.memref_squeeze %dma_wait3A_181 : memref<1x80xi32, #tpu.memory_space<vmem>> -> memref<80xi32, #tpu.memory_space<vmem>>
    %dma_wait3A_183 = arith.constant 0 : i32
    %dma_wait3A_184 = tpu.memref_slice %arg4[%add3A, %dma_wait3A_169, %dma_wait3A_183] : memref<32x125x80xi32, #tpu.memory_space<hbm>> -> memref<1x1x80xi32, #tpu.memory_space<hbm>>
    %dma_wait3A_185 = tpu.memref_squeeze %dma_wait3A_184 : memref<1x1x80xi32, #tpu.memory_space<hbm>> -> memref<80xi32, #tpu.memory_space<hbm>>
    tpu.wait_dma2 semaphore(%dma_wait3A_179 : memref<!tpu.dma_semaphore, #tpu.memory_space<semaphore_mem>>) src(%dma_wait3A_185 : memref<80xi32, #tpu.memory_space<hbm>>) dst(%dma_wait3A_182 : memref<80xi32, #tpu.memory_space<vmem>>)
    %dma_start3A_186 = arith.constant 1 : i32
    %dma_start3A_187 = arith.constant 1 : i32
    %dma_start3A_188 = arith.constant 1 : i32
    %dma_start3A_189 = arith.constant 0 : i32
    %dma_start3A_190 = arith.constant 0 : i32
    %dma_start3A_191 = tpu.memref_slice %arg9[%dma_start3A_186, %dma_start3A_189, %dma_start3A_190] : memref<3x80x128xf32, #tpu.memory_space<vmem>> -> memref<1x80x128xf32, #tpu.memory_space<vmem>>
    %dma_start3A_192 = tpu.memref_squeeze %dma_start3A_191 : memref<1x80x128xf32, #tpu.memory_space<vmem>> -> memref<80x128xf32, #tpu.memory_space<vmem>>
    %dma_start3A_193 = arith.constant 0 : i32
    %dma_start3A_194 = tpu.memref_slice %arg8[%dma_start3A_187, %dma_start3A_193] : memref<3x80xi32, #tpu.memory_space<vmem>> -> memref<1x80xi32, #tpu.memory_space<vmem>>
    %dma_start3A_195 = tpu.memref_squeeze %dma_start3A_194 : memref<1x80xi32, #tpu.memory_space<vmem>> -> memref<80xi32, #tpu.memory_space<vmem>>
    %dma_start3A_196 = arith.constant 0 : i32
    %dma_start3A_197 = arith.constant 0 : i32
    %dma_start3A_198 = tpu.memref_slice %arg10[%dma_start3A_196, %dma_start3A_197] : memref<10000x128xf32, #tpu.memory_space<vmem_shared>> -> memref<10000x128xf32, #tpu.memory_space<vmem_shared>>
    %dma_start3A_199 = tpu.memref_slice %arg12[%dma_start3A_188] : memref<3x!tpu.dma_semaphore, #tpu.memory_space<semaphore_mem>> -> memref<1x!tpu.dma_semaphore, #tpu.memory_space<semaphore_mem>>
    %dma_start3A_200 = tpu.memref_squeeze %dma_start3A_199 : memref<1x!tpu.dma_semaphore, #tpu.memory_space<semaphore_mem>> -> memref<!tpu.dma_semaphore, #tpu.memory_space<semaphore_mem>>
    tpu.enqueue_indirect_dma source(%dma_start3A_192 : memref<80x128xf32, #tpu.memory_space<vmem>>) target(%dma_start3A_198 : memref<10000x128xf32, #tpu.memory_space<vmem_shared>>) offsets(%dma_start3A_195 : memref<80xi32, #tpu.memory_space<vmem>>) semaphore(%dma_start3A_200 : memref<!tpu.dma_semaphore, #tpu.memory_space<semaphore_mem>>) {add = true}
    %dma_wait3A_201 = arith.constant 1 : i32
    %dma_wait3A_202 = arith.constant 1 : i32
    %dma_wait3A_203 = arith.constant 1 : i32
    %dma_wait3A_204 = arith.constant 0 : i32
    %dma_wait3A_205 = arith.constant 0 : i32
    %dma_wait3A_206 = tpu.memref_slice %arg9[%dma_wait3A_201, %dma_wait3A_204, %dma_wait3A_205] : memref<3x80x128xf32, #tpu.memory_space<vmem>> -> memref<1x80x128xf32, #tpu.memory_space<vmem>>
    %dma_wait3A_207 = tpu.memref_squeeze %dma_wait3A_206 : memref<1x80x128xf32, #tpu.memory_space<vmem>> -> memref<80x128xf32, #tpu.memory_space<vmem>>
    %dma_wait3A_208 = arith.constant 0 : i32
    %dma_wait3A_209 = tpu.memref_slice %arg8[%dma_wait3A_202, %dma_wait3A_208] : memref<3x80xi32, #tpu.memory_space<vmem>> -> memref<1x80xi32, #tpu.memory_space<vmem>>
    %dma_wait3A_210 = tpu.memref_squeeze %dma_wait3A_209 : memref<1x80xi32, #tpu.memory_space<vmem>> -> memref<80xi32, #tpu.memory_space<vmem>>
    %dma_wait3A_211 = arith.constant 0 : i32
    %dma_wait3A_212 = arith.constant 0 : i32
    %dma_wait3A_213 = tpu.memref_slice %arg10[%dma_wait3A_211, %dma_wait3A_212] : memref<10000x128xf32, #tpu.memory_space<vmem_shared>> -> memref<10000x128xf32, #tpu.memory_space<vmem_shared>>
    %dma_wait3A_214 = tpu.memref_slice %arg12[%dma_wait3A_203] : memref<3x!tpu.dma_semaphore, #tpu.memory_space<semaphore_mem>> -> memref<1x!tpu.dma_semaphore, #tpu.memory_space<semaphore_mem>>
    %dma_wait3A_215 = tpu.memref_squeeze %dma_wait3A_214 : memref<1x!tpu.dma_semaphore, #tpu.memory_space<semaphore_mem>> -> memref<!tpu.dma_semaphore, #tpu.memory_space<semaphore_mem>>
    tpu.wait_indirect_dma semaphore(%dma_wait3A_215 : memref<!tpu.dma_semaphore, #tpu.memory_space<semaphore_mem>>) src(%dma_wait3A_207 : memref<80x128xf32, #tpu.memory_space<vmem>>) dst(%dma_wait3A_213 : memref<10000x128xf32, #tpu.memory_space<vmem_shared>>)
    %barrier3A_216 = arith.constant 0 : index
    tpu.barrier barrier_id(%barrier3A_216)
    %mul3A_217 = arith.constant 624 : i32
    %mul3A_218 = arith.muli %arg1, %mul3A_217 : i32
    %mul3A_219 = arith.constant 624 : i32
    %mul3A_220 = arith.muli %arg1, %mul3A_219 : i32
    "tpu.region"() ({
      %run_scoped3A = tpu.sem_alloc : memref<!tpu.dma_semaphore, #tpu.memory_space<semaphore_mem>>
      %dma_start3A_221 = arith.constant 0 : i32
      %dma_start3A_222 = tpu.memref_slice %arg6[%arg0, %mul3A_220, %dma_start3A_221] : memref<2x10000x128xf32, #tpu.memory_space<hbm>> -> memref<1x640x128xf32, #tpu.memory_space<hbm>>
      %dma_start3A_223 = tpu.memref_squeeze %dma_start3A_222 : memref<1x640x128xf32, #tpu.memory_space<hbm>> -> memref<640x128xf32, #tpu.memory_space<hbm>>
      %dma_start3A_224 = arith.constant 0 : i32
      %dma_start3A_225 = tpu.memref_slice %arg10[%mul3A_218, %dma_start3A_224] : memref<10000x128xf32, #tpu.memory_space<vmem_shared>> -> memref<640x128xf32, #tpu.memory_space<vmem_shared>>
      tpu.enqueue_dma source(%dma_start3A_225 : memref<640x128xf32, #tpu.memory_space<vmem_shared>>) target(%dma_start3A_223 : memref<640x128xf32, #tpu.memory_space<hbm>>) target_semaphore(%run_scoped3A : memref<!tpu.dma_semaphore, #tpu.memory_space<semaphore_mem>>)
      %dma_wait3A_226 = arith.constant 0 : i32
      %dma_wait3A_227 = tpu.memref_slice %arg6[%arg0, %mul3A_220, %dma_wait3A_226] : memref<2x10000x128xf32, #tpu.memory_space<hbm>> -> memref<1x640x128xf32, #tpu.memory_space<hbm>>
      %dma_wait3A_228 = tpu.memref_squeeze %dma_wait3A_227 : memref<1x640x128xf32, #tpu.memory_space<hbm>> -> memref<640x128xf32, #tpu.memory_space<hbm>>
      %dma_wait3A_229 = arith.constant 0 : i32
      %dma_wait3A_230 = tpu.memref_slice %arg10[%mul3A_218, %dma_wait3A_229] : memref<10000x128xf32, #tpu.memory_space<vmem_shared>> -> memref<640x128xf32, #tpu.memory_space<vmem_shared>>
      tpu.wait_dma2 semaphore(%run_scoped3A : memref<!tpu.dma_semaphore, #tpu.memory_space<semaphore_mem>>) src(%dma_wait3A_230 : memref<640x128xf32, #tpu.memory_space<vmem_shared>>) dst(%dma_wait3A_228 : memref<640x128xf32, #tpu.memory_space<hbm>>)
      tpu.yield
    }) : () -> ()
    return
  }
}

</mosaic_0001>

<sc_bundles>
// kernel: _sc_agg.3.cloned.1.call-start
scs
__scs_entry_jumppad:
0x0: {  	(pc) =	sbr.rel $0x88, $3  }
0x1: {  	(tag) =	ssettag $0x0;
	lr =	simm.s32 $0x1  }
0x2: {  	[smem:$0x3F9D] =	sst lr;
	_ =	strace $0xD0000000  }
0x3: {  	_ = 	snop  }
0x4: {  	_ = 	snop  }
0x5: {  	_ = 	snop  }
0x6: {  	_ = 	snop  }
0x7: {  	_ = 	snop  }
__scs_overlays_trampoline_lowered:
0x8: {  	[smem:$0x3FAC] =	sst s0  }
0x9: {  	[smem:$0x3FAD] =	sst s1  }
0xa: {  	[smem:$0x3FAE] =	sst s2  }
0xb: {  	[smem:$0x3FAF] =	sst s3  }
0xc: {  	[smem:$0x3FB0] =	sst s4  }
0xd: {  	[smem:$0x3FB1] =	sst s5  }
0xe: {  	[smem:$0x3FB2] =	sst s6  }
0xf: {  	[smem:$0x3FB3] =	sst s7  }
0x10: {  	[smem:$0x3FB4] =	sst s8  }
0x11: {  	[smem:$0x3FB5] =	sst s9;
	s0 =	simm.s32 @!p0 $0x0  }
0x12: {  	s1 =	sld [smem:$0x3F9B];
	s0 =	simm.s32 @p0 $0x1  }
0x13: {  	[smem:$0x3FB6] =	sst s0;
	s0 =	simm.s32 @!p1 $0x0  }
0x14: {  	s2 =	sld [smem:$0x3F9A];
	s0 =	simm.s32 @p1 $0x1  }
0x15: {  	[smem:$0x3FB7] =	sst s0;
	s0 =	simm.s32 @!p2 $0x0  }
0x16: {  	s3 =	sld [smem:$0x3FDB];
	s0 =	simm.s32 @p2 $0x1  }
0x17: {  	s4 =	simm.s32 $0x1BF5;
	[smem:$0x3FB9] =	sst s0  }
0x18: {  	s0 =	sld [smem:$0x3F9C];
	_ =	swait.ge [sflag:s4], $0x0  }
0x19: {  	s7 =	sld [smem:$0x3F9D]  }
0x1a: {  	s8 =	sadd.s32 $0xFFFFE003, lr  }
0x1b: {  	s9 =	sadd.s32 $0xFFFFFEF7, lr;
	s5 =	simm.s32 $0xFFFFFFFF;
	p2 =	slt.u32 s8, $0xFFFFF086  }
0x1c: {  	p1 =	slt.u32 s9, $0xF7A;
	s5 =	simm.s32 @!p2 $0x0  }
0x1d: {  	s5 =	simm.s32 @p1 $0x1;
	p0 =	seq.s32 s7, s2  }
0x1e: {  	s7 =	smul.u32 @!p0 $0xF7A, s2;
	p2 =	seq.s32 @!p0 s5, $0x0  }
0x1f: {  	s9 =	smul.u32 $0xF7A, s1;
	s8 =	simm.s32 @!p0 $0x1BF5;
	p2 =	por !p2, p0  }
0x20: {  	[sflag:s8] =	ssyncset.s32 @!p0 $0xFFFFF086;
	s6 =	sadd.s32 @!p0 s3, s7;
	s7 =	simm.s32 @!p0 $0x108  }
0x21: {  	s3 =	sadd.s32 s3, s9;
	s6 =	sadd.s32 @!p0 $0x88, s6;
	s7 =	simm.s32 @p2 $0x1082  }
0x22: {  	[simem:s7], [sflag:s8] =	dma.local @!p0 [hbm:s6], $0xF7A  }
0x23: {  	s9 =	sor.u32 $0xD0000000, s2;
	s6 =	simm.s32 $0x108;
	_ =	swait.ge @!p0 [sflag:s8], $0x0  }
0x24: {  	s3 =	sadd.s32 $0x88, s3;
	s6 =	simm.s32 @!p1 $0x1082;
	[sflag:s4] =	ssyncset.s32 $0xFFFFF086  }
0x25: {  	[simem:s6], [sflag:s4] =	dma.local [hbm:s3], $0xF7A  }
0x26: {  	[smem:$0x3F9D] =	sst s1;
	(tag) =	ssettag s2;
	_ =	strace s9  }
0x27: {  	s1 =	sld [smem:$0x3FAD]  }
0x28: {  	s2 =	sld [smem:$0x3FAE]  }
0x29: {  	s4 =	sld [smem:$0x3FB0]  }
0x2a: {  	p0 =	seq.s32 s5, $0x0;
	s5 =	sld [smem:$0x3FB1]  }
0x2b: {  	s6 =	sld [smem:$0x3FB2]  }
0x2c: {  	s7 =	sld [smem:$0x3FB3]  }
0x2d: {  	s3 =	simm.s32 $0x108;
	s8 =	sld [smem:$0x3FB4]  }
0x2e: {  	s3 =	simm.s32 @!p0 $0x1082;
	s9 =	sld [smem:$0x3FB5]  }
0x2f: {  	lr =	sadd.s32 s0, s3;
	s0 =	sld [smem:$0x3FAC]  }
0x30: {  	s3 =	sld [smem:$0x3FAF]  }
0x31: {  	[smem:$0x3FB8] =	sst s10  }
0x32: {  	s10 =	sld [smem:$0x3FB6];
	_ =	sdelay $0x3  }
0x33: {  	p0 =	seq.s32 s10, $0x1;
	s10 =	sld [smem:$0x3FB8];
	_ =	sdelay $0x3  }
0x34: {  	[smem:$0x3FB8] =	sst s10  }
0x35: {  	s10 =	sld [smem:$0x3FB7];
	_ =	sdelay $0x3  }
0x36: {  	p1 =	seq.s32 s10, $0x1;
	s10 =	sld [smem:$0x3FB8];
	_ =	sdelay $0x3  }
0x37: {  	[smem:$0x3FB8] =	sst s10  }
0x38: {  	s10 =	sld [smem:$0x3FB9]  }
0x39: {  	_ = 	snop;
	(pc) =	sbr.ind lr, $3  }
0x3a: {  	_ = 	snop  }
0x3b: {  	_ = 	snop  }
0x3c: {  	p2 =	seq.s32 s10, $0x1;
	s10 =	sld [smem:$0x3FB8]  }
0x3d: {  	_ =	shalt  }
0x3e: {  	_ =	shalt  }
0x3f: {  	_ =	shalt  }
0x40: {  	_ =	shalt  }
0x41: {  	_ =	shalt  }
0x42: {  	_ =	shalt  }
0x43: {  	_ =	shalt  }
0x44: {  	_ =	shalt  }
0x45: {  	_ =	shalt  }
0x46: {  	_ =	shalt  }
0x47: {  	_ =	shalt  }
0x48: {  	_ =	shalt  }
0x49: {  	_ =	shalt  }
0x4a: {  	_ =	shalt  }
0x4b: {  	_ =	shalt  }
0x4c: {  	_ =	shalt  }
0x4d: {  	_ =	shalt  }
0x4e: {  	_ =	shalt  }
0x4f: {  	_ =	shalt  }
0x50: {  	_ =	shalt  }
0x51: {  	_ =	shalt  }
0x52: {  	_ =	shalt  }
0x53: {  	_ =	shalt  }
0x54: {  	_ =	shalt  }
0x55: {  	_ =	shalt  }
0x56: {  	_ =	shalt  }
0x57: {  	_ =	shalt  }
0x58: {  	_ =	shalt  }
0x59: {  	_ =	shalt  }
0x5a: {  	_ =	shalt  }
0x5b: {  	_ =	shalt  }
0x5c: {  	_ =	shalt  }
0x5d: {  	_ =	shalt  }
0x5e: {  	_ =	shalt  }
0x5f: {  	_ =	shalt  }
0x60: {  	_ =	shalt  }
0x61: {  	_ =	shalt  }
0x62: {  	_ =	shalt  }
0x63: {  	_ =	shalt  }
0x64: {  	_ =	shalt  }
0x65: {  	_ =	shalt  }
0x66: {  	_ =	shalt  }
0x67: {  	_ =	shalt  }
0x68: {  	_ =	shalt  }
0x69: {  	_ =	shalt  }
0x6a: {  	_ =	shalt  }
0x6b: {  	_ =	shalt  }
0x6c: {  	_ =	shalt  }
0x6d: {  	_ =	shalt  }
0x6e: {  	_ =	shalt  }
0x6f: {  	_ =	shalt  }
0x70: {  	_ =	shalt  }
0x71: {  	_ =	shalt  }
0x72: {  	_ =	shalt  }
0x73: {  	_ =	shalt  }
0x74: {  	_ =	shalt  }
0x75: {  	_ =	shalt  }
0x76: {  	_ =	shalt  }
0x77: {  	_ =	shalt  }
0x78: {  	_ =	shalt  }
0x79: {  	_ =	shalt  }
0x7a: {  	_ =	shalt  }
0x7b: {  	_ =	shalt  }
0x7c: {  	_ =	shalt  }
0x7d: {  	_ =	shalt  }
0x7e: {  	_ =	shalt  }
0x7f: {  	_ =	shalt  }
0x80: {  	_ =	shalt  }
0x81: {  	_ =	shalt  }
0x82: {  	_ =	shalt  }
0x83: {  	_ =	shalt  }
0x84: {  	_ =	shalt  }
0x85: {  	_ =	shalt  }
0x86: {  	_ =	shalt  }
0x87: {  	_ =	shalt  }
.Lfunc_end0:
.L_simem_size_0:
called_computation_lowered:
.L_overlay_start_0:
0x88: {  	s2 =	sld [smem:$0x3FD9]  }
0x89: {  	s3 =	sld [smem:$0x3FFE];
	_ =	sdelay $0x1  }
0x8a: {  	s1 =	srdreg.scid  }
0x8b: {  	s0 =	sand.u32 $0x1, s1  }
0x8c: {  	s17 =	sshll.u32 s0, $0xA;
	s2 =	sadd.s32 s3, s2  }
0x8d: {  	s2 =	sadd.s32 s2, s17  }
0x8e: {  	[smem:$0x3FC4] =	sst s2  }
0x8f: {  	_ = 	snop  }
0x90: {  	s2 =	sld [smem:$0x3FC9]  }
0x91: {  	s18 =	sld [smem:$0x3FC8]  }
0x92: {  	s4 =	sld [smem:$0x3FC6]  }
0x93: {  	s5 =	sld [smem:$0x3FD0];
	(tm) =	ssettm $0x1  }
0x94: {  	s6 =	sld [smem:$0x3FFB];
	_ =	sdelay $0x3  }
0x95: {  	_ =	strace s6  }
0x96: {  	s6 =	sld [smem:$0x3FFC];
	_ =	sdelay $0x3  }
0x97: {  	_ =	strace s6  }
0x98: {  	s6 =	sld [smem:$0x3FFD];
	_ =	sdelay $0x3  }
0x99: {  	_ =	strace s6  }
0x9a: {  	_ =	strace $0x8FFFFFFF  }
0x9b: {  	s19 =	sld [smem:$0x3FDB];
	_ =	sdelay $0x1  }
0x9c: {  	s7 =	simm.s32 $_scs_section_size  }
0x9d: {  	s8 =	simm.s32 $_size__tile_overlayer_lowered;
	s9 =	simm.s32 $_tile_overlayer_lowered  }
0x9e: {  	s22 =	simm.s32 $0x1BFF;
	s21 =	sshll.u32 s9, $0x1;
	s6 =	sadd.s32 s7, s19  }
0x9f: {  	s10 =	simm.s32 $0x0;
	s20 =	sshll.u32 s8, $0x1;
	s8 =	sadd.s32 s21, s6  }
0xa0: {  	[timem:s10], [sflag:s22] =	dma.local [hbm:s8], s20  }
0xa1: {  	_ =	swait.ge [sflag:s22], s20  }
0xa2: {  	s7 =	ssub.s32 $0x0, s20;
	[sflag:s22] =	ssyncset.done $0x0  }
0xa3: {  	[sflag:s22] =	ssyncadd.s32 s7;
	_ =	sdelay $0x1  }
0xa4: {  	s23 =	simm.s32 $0x1B8B  }
0xa5: {  	_ =	swait.ge [sflag:s23], $0x1  }
0xa6: {  	[sflag:s23] =	ssyncset.done $0x0  }
0xa7: {  	s25 =	simm.s32 $0x1B8E;
	s24 =	sld [smem:$0x3FFE];
	[sflag:s23] =	ssyncadd.s32 $0xFFFFFFFF  }
0xa8: {  	s26 =	simm.s32 $execute0_lowered;
	[smem:$0x3FD2] =	sst s25  }
0xa9: {  	s8 =	sshll.u32 s26, $0x1;
	_ =	strace $0x80000046;
	[dreg:$0x1] =	wrdreg $0xFFFFFFFF  }
0xaa: {  	s28 =	simm.s32 $_size_execute0_lowered;
	s6 =	sadd.s32 s6, s8;
	[dreg:$0x0] =	wrdreg $0x0  }
0xab: {  	s8 =	sshll.u32 s28, $0x1;
	[dreg:$0x2] =	wrdreg s6  }
0xac: {  	[dreg:$0x3] =	wrdreg s8  }
0xad: {  	[dreg:$0x4] =	wrdreg $0xC0  }
0xae: {  	_ =	task [dreg:s10], $0x5FFFF  }
0xaf: {  	[dreg:$0x1] =	wrdreg $0xFFFFFFFF  }
0xb0: {  	[dreg:$0x0] =	wrdreg $0x60  }
0xb1: {  	[dreg:$0x2] =	wrdreg s2  }
0xb2: {  	[dreg:$0x3] =	wrdreg s18  }
0xb3: {  	[dreg:$0x4] =	wrdreg s24  }
0xb4: {  	[dreg:$0x5] =	wrdreg s4  }
0xb5: {  	[dreg:$0x6] =	wrdreg s5  }
0xb6: {  	[dreg:$0x7] =	wrdreg $0xA1800  }
0xb7: {  	[dreg:$0x8] =	wrdreg $0x9  }
0xb8: {  	_ =	task.clear_ibuf [dreg:s10], $0x9FFFF;
	_ =	strace $0x90000046  }
0xb9: {  	s29 =	simm.s32 $0x9;
	_ =	strace $0x80000048  }
0xba: {  	_ =	swait.ge [sflag:s29], $0x1  }
0xbb: {  	[sflag:s29] =	ssyncadd.s32 $0xFFFFFFFF  }
0xbc: {  	_ =	strace $0x90000048  }
0xbd: {  	_ =	sfence  }
0xbe: {  	s30 =	sld [smem:$0x0];
	_ =	sdelay $0x2  }
0xbf: {  	s31 =	sshll.u32 s1, $0xD;
	s1 =	sshrl.u32 s1, $0x2  }
0xc0: {  	s3 =	sand.u32 $0x4000, s31;
	s1 =	sadd.s32 s1, s30  }
0xc1: {  	s0 =	sor.u32 s3, s0;
	s1 =	sshll.u32 s1, $0x11  }
0xc2: {  	s0 =	sor.u32 s1, s0  }
0xc3: {  	s0 =	sadd.s32 $0x8F2B, s0  }
0xc4: {  	[sflag:s0] =	ssyncadd.remote.s32 $0x1  }
0xc5: {  	_ =	sfence.sel $0xFFFF  }
0xc6: {  	[dreg:$0x0] =	wrdreg $0xFFFFFFFF;
	(pc) =	sbr.abs _section_cstart, $3  }
0xc7: {  	[dreg:$0x1] =	wrdreg $0xFFFFFFFF  }
0xc8: {  	_ =	task.clear_ibuf [dreg:s10], $0x2FFFF;
	_ =	strace $0x9FFFFFFF  }
0xc9: {  	(tm) =	ssettm $0x7FFFFFFF  }
tec
execute0_lowered:
.L_overlay_start_1:
0x0: {  	(tag) =	ssettag $0x1  }
0x1: {  	s0 =	rddreg [dreg:$0x0]  }
0x2: {  	s1 =	rddreg [dreg:$0x1]  }
0x3: {  	s2 =	rddreg [dreg:$0x2]  }
0x4: {  	s4 =	rddreg [dreg:$0x4]  }
0x5: {  	s3 =	rddreg [dreg:$0x5]  }
0x6: {  	s5 =	srdreg.scid;
	s15 =	stileid.u32  }
0x7: {  	s16 =	simm.s32 $0x7;
	s19 =	simm.s32 $0x50;
	s28 =	simm.s32 $0x1  }
0x8: {  	s29 =	simm.s32 $0x4;
	s30 =	simm.s32 $0x2;
	s31 =	simm.s32 $0x5  }
0x9: {  	s7 =	sand.u32 $0x1, s5;
	s5 =	simm.s32 $0x0;
	s11 =	smul.u32 $0x4E000, s15  }
0xa: {  	s21 =	sshll.u32 s15, $0x7;
	s22 =	smul.u32 $0x13800, s15;
	s26 =	sshll.u32 s15, $0x6  }
0xb: {  	s6 =	sshll.u32 s7, $0x4;
	[smem:$0x7FF] =	sst s5;
	s10 =	ssub.s32 $0x2, s7  }
0xc: {  	s13 =	smul.u32 $0x138800, s7;
	s17 =	sor.u32 $0x1C07, s26;
	s26 =	simm.s32 $0x2880  }
0xd: {  	s9 =	sor.u32 s15, s6;
	_ =	strace $0x80000047;
	s6 =	sadd.s32 $0x400, s2  }
0xe: {  	s12 =	sshrl.u32 s10, $0x1;
	s23 =	sshrl.u32 s11, $0x2;
	s8 =	sshrl.u32 s9, $0x3  }
0xf: {  	s14 =	ssub.s32 s10, s12;
	s24 =	sshll.u32 s9, $0xB;
	s25 =	sadd.s32 s22, s13  }
0x10: {  	s9 =	sshll.u32 s9, $0xE;
	s22 =	simm.s32 $0x5180;
	s20 =	smul.u32 $0x13C00, s8  }
0x11: {  	s8 =	sand.u32 $0x380, s21;
	s13 =	smax.u32 s14, $0x1;
	s21 =	simm.s32 $0x2780  }
0x12: {  	s2 =	sor.u32 s8, s20;
	s8 =	sadd.s32 s6, s24;
	s20 =	simm.s32 $0x2980  }
.Ltmp0:
0x13: {  	s2 =	sshrl.u32 s2, $0x3;
	s10 =	sadd.s32 $0x10, s8;
	(pc) =	sbr.rel .LBB2_1-.Ltmp0, $4  }
0x14: {  	s11 =	sadd.s32 $0x20, s8;
	s1 =	sadd.s32 s1, s2;
	s2 =	sshrl.u32 s25, $0x3  }
0x15: {  	s25 =	simm.s32 $0x7980;
	[dreg:$0x7] =	wrdreg s1;
	s1 =	sadd.s32 s23, s3  }
0x16: {  	s12 =	sadd.s32 s4, s2;
	s23 =	simm.s32 $0x2800;
	s4 =	simm.s32 $0x6  }
0x17: {  	s2 =	simm.s32 $0x0;
	s18 =	sshrl.u32 s1, $0x3;
	s1 =	simm.s32 $0x3  }
.LBB2_4:
0x18: {  	_ =	swait.ge [sflag:s28], $0x2800  }
0x19: {  	[sflag:s28] =	ssyncset.done $0x0  }
0x1a: {  	[sflag:s28] =	ssyncadd.s32 $0xFFFFD800  }
0x1b: {  	_ =	swait.ge [sflag:s28], $0x80  }
0x1c: {  	[sflag:s28] =	ssyncset.done $0x0  }
0x1d: {  	[sflag:s28] =	ssyncadd.s32 $0xFFFFFF80  }
0x1e: {  	[spmem:s3] =	stream.indirect.scatter.add.f32 [tilespmem:s20], [sflag:$0x4], $0x80, s21, s19, $0xb8;
	[tilespmem:$0x1DA00] =	vst v63  }
0x1f: {  	_ =	swait.ge [sflag:s29], $0x2800  }
0x20: {  	[sflag:s29] =	ssyncset.done $0x0  }
0x21: {  	[sflag:s29] =	ssyncadd.s32 $0xFFFFD800  }
0x22: {  	_ =	swait.ge [sflag:s30], $0x2800  }
0x23: {  	[sflag:s30] =	ssyncset.done $0x0  }
0x24: {  	[sflag:s30] =	ssyncadd.s32 $0xFFFFD800  }
0x25: {  	_ =	swait.ge [sflag:s30], $0x80  }
0x26: {  	[sflag:s30] =	ssyncset.done $0x0  }
0x27: {  	[sflag:s30] =	ssyncadd.s32 $0xFFFFFF80  }
0x28: {  	[spmem:s3] =	stream.indirect.scatter.add.f32 [tilespmem:s22], [sflag:$0x5], $0x80, s23, s19, $0xb8;
	[tilespmem:$0x1DA00] =	vst v63  }
0x29: {  	_ =	swait.ge [sflag:s31], $0x2800  }
0x2a: {  	s2 =	sadd.s32 $0x1, s2;
	[sflag:s31] =	ssyncset.done $0x0  }
0x2b: {  	p0 =	sne.s32 s2, s13;
	[sflag:s31] =	ssyncadd.s32 $0xFFFFD800  }
.Ltmp1:
0x2c: {  	[bflag:$0x0] =	sbarrier.arrive $0xFFFF;
	(pc) =	sbr.rel @!p0 .LBB2_5-.Ltmp1, $4  }
0x2d: {  	[hbm:s12], [sflag:s17] =	dma.local [spmem:s18], $0x2800  }
0x2e: {  	_ =	swait.ge [sflag:s16], $0x2800  }
0x2f: {  	[sflag:s16] =	ssyncset.done $0x0  }
0x30: {  	[sflag:s16] =	ssyncadd.s32 $0xFFFFD800  }
.LBB2_1:
0x31: {  	s7 =	rddreg [dreg:$0x7];
	s14 =	simm.s32 $0x80;
	s15 =	simm.s32 $0x400  }
0x32: {  	[tilespmem:s5], [sflag:$0x7] =	stream.strided.gather [hbm4b:s7+s14], $0x2780, s15, s14, $0x38;
	[tilespmem:$0x1DA00] =	vst v63  }
0x33: {  	_ =	swait.ge [sflag:s16], $0x2780  }
0x34: {  	[sflag:s16] =	ssyncset.done $0x0  }
0x35: {  	[sflag:s16] =	ssyncadd.s32 $0xFFFFD880  }
0x36: {  	s15 =	rddreg [dreg:$0x3]  }
0x37: {  	[spmem:s18], [sflag:s17] =	dma.local [hbm:s15], $0x2800  }
0x38: {  	_ =	swait.ge [sflag:s16], $0x2800  }
0x39: {  	[sflag:s16] =	ssyncset.done $0x0  }
0x3a: {  	[sflag:s16] =	ssyncadd.s32 $0xFFFFD800  }
0x3b: {  	[tilespmem:s20], [sflag:$0x1] =	stream.indirect.gather [hbm4b:s0+s19], $0x80, s5, s19, $0xb8;
	[tilespmem:$0x1DA00] =	vst v63  }
0x3c: {  	_ = 	snop  }
0x3d: {  	[tilespmem:s21], [sflag:$0x1] =	stream.linear.gather [hbm4b:s8+s5], $0x80, $0x38;
	[tilespmem:$0x1DA00] =	vst v63  }
0x3e: {  	_ = 	snop  }
0x3f: {  	[tilespmem:s22], [sflag:$0x2] =	stream.indirect.gather [hbm4b:s0+s19], $0x80, s19, s19, $0xb8;
	[tilespmem:$0x1DA00] =	vst v63  }
0x40: {  	_ = 	snop  }
0x41: {  	[tilespmem:s23], [sflag:$0x2] =	stream.linear.gather [hbm4b:s10+s5], $0x80, $0x38;
	[tilespmem:$0x1DA00] =	vst v63  }
0x42: {  	s24 =	simm.s32 $0xA0  }
0x43: {  	[tilespmem:s25], [sflag:$0x3] =	stream.indirect.gather [hbm4b:s0+s19], $0x80, s24, s19, $0xb8;
	[tilespmem:$0x1DA00] =	vst v63  }
0x44: {  	_ = 	snop  }
0x45: {  	[tilespmem:s26], [sflag:$0x3] =	stream.linear.gather [hbm4b:s11+s5], $0x80, $0x38;
	[tilespmem:$0x1DA00] =	vst v63  }
0x46: {  	s14 =	simm.s32 $0x190;
	s15 =	simm.s32 $0x280;
	[bflag:$0x0] =	sbarrier.arrive $0xFFFF  }
.LBB2_2:
0x47: {  	_ =	swait.ge [sflag:s28], $0x2800  }
0x48: {  	[sflag:s28] =	ssyncset.done $0x0  }
0x49: {  	[sflag:s28] =	ssyncadd.s32 $0xFFFFD800  }
0x4a: {  	_ =	swait.ge [sflag:s28], $0x80  }
0x4b: {  	[sflag:s28] =	ssyncset.done $0x0  }
0x4c: {  	[sflag:s28] =	ssyncadd.s32 $0xFFFFFF80  }
0x4d: {  	[spmem:s3] =	stream.indirect.scatter.add.f32 [tilespmem:s20], [sflag:$0x4], $0x80, s21, s19, $0xb8;
	[tilespmem:$0x1DA00] =	vst v63  }
0x4e: {  	_ =	swait.ge [sflag:s29], $0x2800  }
0x4f: {  	[sflag:s29] =	ssyncset.done $0x0  }
0x50: {  	s24 =	sadd.s32 $0xFFFFFF60, s14;
	[sflag:s29] =	ssyncadd.s32 $0xFFFFD800  }
0x51: {  	[tilespmem:s20], [sflag:$0x1] =	stream.indirect.gather [hbm4b:s0+s19], $0x80, s24, s19, $0xb8;
	[tilespmem:$0x1DA00] =	vst v63  }
0x52: {  	s24 =	sadd.s32 $0xFFFFFF00, s15  }
0x53: {  	s7 =	sand.u32 $0xFC00, s24  }
0x54: {  	s24 =	sand.u32 $0x380, s24;
	s7 =	sadd.s32 s9, s7  }
0x55: {  	s7 =	sor.u32 s24, s7  }
0x56: {  	s7 =	sshrl.u32 s7, $0x3  }
0x57: {  	s7 =	sadd.s32 s6, s7  }
0x58: {  	[tilespmem:s21], [sflag:$0x1] =	stream.linear.gather [hbm4b:s7+s5], $0x80, $0x38;
	[tilespmem:$0x1DA00] =	vst v63  }
0x59: {  	_ =	swait.ge [sflag:s30], $0x2800  }
0x5a: {  	[sflag:s30] =	ssyncset.done $0x0  }
0x5b: {  	[sflag:s30] =	ssyncadd.s32 $0xFFFFD800  }
0x5c: {  	_ =	swait.ge [sflag:s30], $0x80  }
0x5d: {  	[sflag:s30] =	ssyncset.done $0x0  }
0x5e: {  	[sflag:s30] =	ssyncadd.s32 $0xFFFFFF80  }
0x5f: {  	[spmem:s3] =	stream.indirect.scatter.add.f32 [tilespmem:s22], [sflag:$0x5], $0x80, s23, s19, $0xb8;
	[tilespmem:$0x1DA00] =	vst v63  }
0x60: {  	_ =	swait.ge [sflag:s31], $0x2800  }
0x61: {  	[sflag:s31] =	ssyncset.done $0x0  }
0x62: {  	s24 =	sadd.s32 $0xFFFFFFB0, s14;
	s7 =	sadd.s32 $0xFFFFFF80, s15;
	[sflag:s31] =	ssyncadd.s32 $0xFFFFD800  }
0x63: {  	[tilespmem:s22], [sflag:$0x2] =	stream.indirect.gather [hbm4b:s0+s19], $0x80, s24, s19, $0xb8;
	[tilespmem:$0x1DA00] =	vst v63  }
0x64: {  	s24 =	sand.u32 $0xFC00, s7  }
0x65: {  	s7 =	sand.u32 $0x380, s7;
	s24 =	sadd.s32 s9, s24  }
0x66: {  	s7 =	sor.u32 s7, s24  }
0x67: {  	s7 =	sshrl.u32 s7, $0x3  }
0x68: {  	s7 =	sadd.s32 s6, s7  }
0x69: {  	[tilespmem:s23], [sflag:$0x2] =	stream.linear.gather [hbm4b:s7+s5], $0x80, $0x38;
	[tilespmem:$0x1DA00] =	vst v63  }
0x6a: {  	_ =	swait.ge [sflag:s1], $0x2800  }
0x6b: {  	[sflag:s1] =	ssyncset.done $0x0  }
0x6c: {  	[sflag:s1] =	ssyncadd.s32 $0xFFFFD800  }
0x6d: {  	_ =	swait.ge [sflag:s1], $0x80  }
0x6e: {  	p0 =	seq.s32 s15, $0x3E80;
	[sflag:s1] =	ssyncset.done $0x0  }
.Ltmp2:
0x6f: {  	[sflag:s1] =	ssyncadd.s32 $0xFFFFFF80;
	(pc) =	sbr.rel @p0 .LBB2_4-.Ltmp2, $4  }
0x70: {  	[spmem:s3] =	stream.indirect.scatter.add.f32 [tilespmem:s25], [sflag:$0x6], $0x80, s26, s19, $0xb8;
	[tilespmem:$0x1DA00] =	vst v63  }
0x71: {  	_ =	swait.ge [sflag:s4], $0x2800  }
0x72: {  	[sflag:s4] =	ssyncset.done $0x0  }
0x73: {  	[sflag:s4] =	ssyncadd.s32 $0xFFFFD800  }
0x74: {  	[tilespmem:s25], [sflag:$0x3] =	stream.indirect.gather [hbm4b:s0+s19], $0x80, s14, s19, $0xb8;
	[tilespmem:$0x1DA00] =	vst v63  }
0x75: {  	s7 =	sand.u32 $0xFC00, s15  }
.Ltmp3:
0x76: {  	s24 =	sand.u32 $0x380, s15;
	s7 =	sadd.s32 s9, s7;
	(pc) =	sbr.rel .LBB2_2-.Ltmp3, $4  }
0x77: {  	s7 =	sor.u32 s24, s7  }
0x78: {  	s7 =	sshrl.u32 s7, $0x3  }
0x79: {  	s14 =	sadd.s32 $0xF0, s14;
	s15 =	sadd.s32 $0x180, s15;
	s7 =	sadd.s32 s6, s7  }
0x7a: {  	[tilespmem:s26], [sflag:$0x3] =	stream.linear.gather [hbm4b:s7+s5], $0x80, $0x38;
	[tilespmem:$0x1DA00] =	vst v63  }
.LBB2_5:
0x7b: {  	_ =	sfence.sel $0x180000  }
0x7c: {  	[bflag:$0x0] =	sbarrier.arrive $0xFFFF  }
0x7d: {  	_ =	strace $0x90000047  }
0x7e: {  	s0 =	stileid.u32;
	[bflag:$0x2] =	sbarrier.arrive $0xFFFF  }
0x7f: {  	p0 =	sne.s32 s0, $0x0;
	s0 =	rddreg [dreg:$0x6]  }
0x80: {  	s0 =	sadd.s32 @!p0 $0x100000, s0  }
0x81: {  	[sflag:s0] =	ssyncadd.tile.s32 @!p0 $0x1;
	_ =	shalt  }
.Lfunc_end2:
_tile_overlayer_lowered:
.L_overlay_start_2:
0x82: {  	(tag) =	ssettag $0x2  }
0x83: {  	s0 =	rddreg [dreg:$0x0];
	s2 =	stileid.u32  }
0x84: {  	s1 =	rddreg [dreg:$0x1];
	p0 =	sne.s32 s2, $0x0  }
0x85: {  	s3 =	rddreg [dreg:$0x2];
	[bflag:$0x3] =	sbarrier.arrive $0xFFFF;
	s2 =	simm.s32 @!p0 $0x1C07  }
0x86: {  	[timem:s3], [sflag:s2] =	dma.local @!p0 [hbm:s0], s1  }
0x87: {  	s0 =	simm.s32 @!p0 $0x7  }
0x88: {  	_ =	swait.ge @!p0 [sflag:s0], s1  }
0x89: {  	s1 =	ssub.s32 @!p0 $0x0, s1;
	[sflag:s0] =	ssyncset.done @!p0 $0x0  }
0x8a: {  	[sflag:s0] =	ssyncadd.s32 @!p0 s1  }
0x8b: {  	[bflag:$0x3] =	sbarrier.arrive $0xFFFF  }
0x8c: {  	_ =	shalt  }

</sc_bundles>
